<compile_context>
chip_gen: v7x
topology: tpu7x:2x2x1
jax: 0.10.2.dev20260603
libtpu: 0.0.44.dev20260713+nightly
codegen_flags: <defaults>
</compile_context>

<pallas_src>
import functools

import jax
import jax.numpy as jnp
from jax import lax
from jax.experimental import pallas as pl
from jax.experimental.pallas import tpu as pltpu
from jax.experimental.pallas import tpu_sc as plsc

_N = 10000
_E = 320000
_H = 128
_G = 128
_OUT = 64
_L = 4

_NC = 2
_NS = 16
_NW = _NC * _NS
_EGRP = 128
_GPW = 79
_E_PAD = _GPW * _NW * _EGRP
_NPAD = 10112
_ZROWS = _NPAD // _NS


def _sc_aggregate(h, src_g, dst_g, zeros_init):
  mesh = plsc.VectorSubcoreMesh(
      core_axis_name="c", subcore_axis_name="s",
      num_cores=_NC, num_subcores=_NS)

  @functools.partial(
      pl.kernel,
      out_type=jax.ShapeDtypeStruct((_NC, _NPAD, _H), jnp.float32),
      mesh=mesh,
      scratch_types=[
          pltpu.VMEM((_GPW, _EGRP), jnp.int32),
          pltpu.VMEM((_GPW, _EGRP), jnp.int32),
          pltpu.VMEM((_EGRP, _H), jnp.float32),
          pltpu.VMEM_SHARED((_NPAD, _H), jnp.float32),
          pltpu.SemaphoreType.DMA,
      ],
  )
  def agg_kernel(h_hbm, src_hbm, dst_hbm, z_hbm, out_hbm,
                 sidx, didx, rows, agg_sh, sem):
    c = lax.axis_index("c")
    s = lax.axis_index("s")
    w = c * _NS + s
    pltpu.sync_copy(z_hbm.at[pl.ds(s * _ZROWS, _ZROWS)],
                    agg_sh.at[pl.ds(s * _ZROWS, _ZROWS)])
    pltpu.sync_copy(src_hbm.at[w], sidx)
    pltpu.sync_copy(dst_hbm.at[w], didx)
    plsc.subcore_barrier()

    def body(j, carry):
      pltpu.async_copy(h_hbm.at[sidx.at[j]], rows, sem).wait()
      pltpu.sync_copy(rows, agg_sh.at[didx.at[j]], add=True)
      return carry

    lax.fori_loop(0, _GPW, body, 0)
    plsc.subcore_barrier()
    pltpu.sync_copy(agg_sh.at[pl.ds(s * _ZROWS, _ZROWS)],
                    out_hbm.at[c, pl.ds(s * _ZROWS, _ZROWS)])

  return agg_kernel(h, src_g, dst_g, zeros_init)


def _layer_body(h_ref, agg_ref, w1, b1, g1, be1, w2, b2, g2, be2, out_ref):
  z = h_ref[...] + agg_ref[0, :_N] + agg_ref[1, :_N]
  y = jnp.dot(z, w1[...], preferred_element_type=jnp.float32) + b1[...]
  mu = jnp.mean(y, axis=0, keepdims=True)
  yc = y - mu
  var = jnp.mean(yc * yc, axis=0, keepdims=True)
  m = jnp.maximum(g1[...] * yc / jnp.sqrt(var + 1e-5) + be1[...], 0.0)
  y2 = jnp.dot(m, w2[...], preferred_element_type=jnp.float32) + b2[...]
  mu2 = jnp.mean(y2, axis=0, keepdims=True)
  yc2 = y2 - mu2
  var2 = jnp.mean(yc2 * yc2, axis=0, keepdims=True)
  out_ref[...] = jnp.maximum(
      g2[...] * yc2 / jnp.sqrt(var2 + 1e-5) + be2[...], 0.0)


def _tc_layer(h, agg, p):
  return pl.pallas_call(
      _layer_body,
      out_shape=jax.ShapeDtypeStruct((_N, _H), jnp.float32),
  )(h, agg, p['W1'], p['b1'], p['g1'], p['be1'],
    p['W2'], p['b2'], p['g'], p['be'])


def _pool_body(batch_ref, o0, o1, o2, o3, o4,
               w0, w1, w2, w3, w4, b0, b1, b2, b3, b4, out_ref):
  onehot = (batch_ref[...] ==
            lax.broadcasted_iota(jnp.int32, (_N, _G), 1)).astype(jnp.float32)
  dn = (((0,), (0,)), ((), ()))
  acc = None
  for o_ref, w_ref in ((o0, w0), (o1, w1), (o2, w2), (o3, w3), (o4, w4)):
    pooled = lax.dot_general(onehot, o_ref[...], dimension_numbers=dn,
                             preferred_element_type=jnp.float32)
    y = jnp.dot(pooled, w_ref[...], preferred_element_type=jnp.float32)
    acc = y if acc is None else acc + y
  bias = b0[...] + b1[...] + b2[...] + b3[...] + b4[...]
  out_ref[...] = acc + bias[None, :]


def _tc_pool(batch2d, outs, fcs):
  args = [batch2d] + outs + [f['W'] for f in fcs] + [f['b'] for f in fcs]
  return pl.pallas_call(
      _pool_body,
      out_shape=jax.ShapeDtypeStruct((_G, _OUT), jnp.float32),
  )(*args)


def kernel(x, edge_index, batch, params):
  src = edge_index[0]
  dst = edge_index[1]
  pad = _E_PAD - _E
  src_g = jnp.concatenate(
      [src, jnp.zeros((pad,), jnp.int32)]).reshape(_NW, _GPW, _EGRP)
  dst_g = jnp.concatenate(
      [dst, jnp.full((pad,), _N, jnp.int32)]).reshape(_NW, _GPW, _EGRP)
  zeros_init = jnp.zeros((_NPAD, _H), jnp.float32)
  batch2d = batch.reshape(_N, 1)

  outs = [x]
  h = x
  for i in range(_L):
    agg = _sc_aggregate(h, src_g, dst_g, zeros_init)
    h = _tc_layer(h, agg, params['conv%d' % i])
    outs.append(h)
  return _tc_pool(batch2d, outs, params['fcs'])

# --- scband reference (transcript-rebuilt; emitter-appended) ---
"""Pipeline reference for scband-gin-ogb-10101763080474 (READ-ONLY COPY).

The authoritative reference and input builder live on the scoring server;
editing this copy changes nothing except your own understanding.
"""

import jax, jax.numpy as jnp
import numpy as np

N = 10000
E = 320000
D = 128
H = 128
OUT = 64
G = 128
L = 4


def setup_inputs(seed: int = 0):
    key = jax.random.key(seed)
    ks = jax.random.split(key, 64)
    x = jax.random.normal(ks[0], (N, D), dtype=jnp.float32)
    edge_index = jax.random.randint(ks[1], (2, E), 0, N, dtype=jnp.int32)
    batch = jnp.sort(jax.random.randint(ks[2], (N,), 0, G, dtype=jnp.int32))
    params = {}
    dims = [D] + [H] * L
    kidx = 3
    for i in range(L):
        din = dims[i]
        params['conv%d' % i] = {
            'W1': jax.random.normal(ks[kidx], (din, H), dtype=jnp.float32) * 0.05,
            'b1': jnp.zeros((H,), dtype=jnp.float32),
            'g1': jnp.ones((H,), dtype=jnp.float32),
            'be1': jnp.zeros((H,), dtype=jnp.float32),
            'W2': jax.random.normal(ks[kidx + 1], (H, H), dtype=jnp.float32) * 0.05,
            'b2': jnp.zeros((H,), dtype=jnp.float32),
            'g': jnp.ones((H,), dtype=jnp.float32),
            'be': jnp.zeros((H,), dtype=jnp.float32),
        }
        kidx += 2
    fc_in = [D] + [H] * L
    fcs = []
    for i in range(L + 1):
        fcs.append({
            'W': jax.random.normal(ks[kidx], (fc_in[i], OUT), dtype=jnp.float32) * 0.05,
            'b': jnp.zeros((OUT,), dtype=jnp.float32),
        })
        kidx += 1
    params['fcs'] = fcs
    return {'x': x, 'edge_index': edge_index, 'batch': batch, 'params': params}


def _batchnorm(x, g, b, eps=1e-5):
    mu = jnp.mean(x, axis=0)
    var = jnp.mean((x - mu) ** 2, axis=0)
    return g * (x - mu) / jnp.sqrt(var + eps) + b


def reference(x, edge_index, batch, params):
    src = edge_index[0]
    dst = edge_index[1]
    outs = [x]
    h = x
    for i in range(L):
        p = params['conv%d' % i]
        agg = jax.ops.segment_sum(h[src], dst, num_segments=N)
        m = h + agg  # GINConv with eps=0
        m = m @ p['W1'] + p['b1']
        m = _batchnorm(m, p['g1'], p['be1'])
        m = jnp.maximum(m, 0.0)
        m = m @ p['W2'] + p['b2']
        m = _batchnorm(m, p['g'], p['be'])
        m = jnp.maximum(m, 0.0)
        h = m
        outs.append(h)
    out = None
    for i, o in enumerate(outs):
        pooled = jax.ops.segment_sum(o, batch, num_segments=G)
        y = pooled @ params['fcs'][i]['W'] + params['fcs'][i]['b']
        out = y if out is None else out + y
    return out

if __name__ == "__main__":
    import jax
    _d = setup_inputs()
    print(jax.jit(kernel)(*tuple(_d.values())))

</pallas_src>

<mosaic_0001>
#map = affine_map<(d0, d1) -> (0, 0)>
#map1 = affine_map<(d0, d1) -> (0, 0, 0)>
module attributes {stable_mosaic.version = 14 : i64} {
  func.func @agg_kernel(%arg0: i32, %arg1: i32, %arg2: memref<10000x128xf32, #tpu.memory_space<hbm>>, %arg3: memref<32x79x128xi32, #tpu.memory_space<hbm>>, %arg4: memref<32x79x128xi32, #tpu.memory_space<hbm>>, %arg5: memref<10112x128xf32, #tpu.memory_space<hbm>>, %arg6: memref<2x10112x128xf32, #tpu.memory_space<hbm>>, %arg7: memref<79x128xi32, #tpu.memory_space<vmem>>, %arg8: memref<79x128xi32, #tpu.memory_space<vmem>>, %arg9: memref<128x128xf32, #tpu.memory_space<vmem>>, %arg10: memref<10112x128xf32, #tpu.memory_space<vmem_shared>>, %arg11: memref<!tpu.dma_semaphore, #tpu.memory_space<semaphore_mem>>) attributes {dimension_semantics = [#tpu.dimension_semantics<core_parallel>, #tpu.dimension_semantics<subcore_parallel>], iteration_bounds = array<i64: 2, 16>, scalar_prefetch = 0 : i64, scratch_operands = 5 : i64, tpu.core_type = #tpu.core_type<sc_vector_subcore>, window_params = [{transform_indices = #map}, {transform_indices = #map1}, {transform_indices = #map1}, {transform_indices = #map}, {transform_indices = #map1}]} {
    %mul3A = arith.constant 16 : i32
    %mul3A_0 = arith.muli %arg0, %mul3A : i32
    %add3A = arith.addi %mul3A_0, %arg1 : i32
    %mul3A_1 = arith.constant 632 : i32
    %mul3A_2 = arith.muli %arg1, %mul3A_1 : i32
    %mul3A_3 = arith.constant 632 : i32
    %mul3A_4 = arith.muli %arg1, %mul3A_3 : i32
    "tpu.region"() ({
      %run_scoped3A = tpu.sem_alloc : memref<!tpu.dma_semaphore, #tpu.memory_space<semaphore_mem>>
      %dma_start3A = arith.constant 0 : i32
      %dma_start3A_15 = tpu.memref_slice %arg10[%mul3A_4, %dma_start3A] : memref<10112x128xf32, #tpu.memory_space<vmem_shared>> -> memref<632x128xf32, #tpu.memory_space<vmem_shared>>
      %dma_start3A_16 = arith.constant 0 : i32
      %dma_start3A_17 = tpu.memref_slice %arg5[%mul3A_2, %dma_start3A_16] : memref<10112x128xf32, #tpu.memory_space<hbm>> -> memref<632x128xf32, #tpu.memory_space<hbm>>
      tpu.enqueue_dma source(%dma_start3A_17 : memref<632x128xf32, #tpu.memory_space<hbm>>) target(%dma_start3A_15 : memref<632x128xf32, #tpu.memory_space<vmem_shared>>) target_semaphore(%run_scoped3A : memref<!tpu.dma_semaphore, #tpu.memory_space<semaphore_mem>>)
      %dma_wait3A = arith.constant 0 : i32
      %dma_wait3A_18 = tpu.memref_slice %arg10[%mul3A_4, %dma_wait3A] : memref<10112x128xf32, #tpu.memory_space<vmem_shared>> -> memref<632x128xf32, #tpu.memory_space<vmem_shared>>
      %dma_wait3A_19 = arith.constant 0 : i32
      %dma_wait3A_20 = tpu.memref_slice %arg5[%mul3A_2, %dma_wait3A_19] : memref<10112x128xf32, #tpu.memory_space<hbm>> -> memref<632x128xf32, #tpu.memory_space<hbm>>
      tpu.wait_dma2 semaphore(%run_scoped3A : memref<!tpu.dma_semaphore, #tpu.memory_space<semaphore_mem>>) src(%dma_wait3A_20 : memref<632x128xf32, #tpu.memory_space<hbm>>) dst(%dma_wait3A_18 : memref<632x128xf32, #tpu.memory_space<vmem_shared>>)
      tpu.yield
    }) : () -> ()
    "tpu.region"() ({
      %run_scoped3A = tpu.sem_alloc : memref<!tpu.dma_semaphore, #tpu.memory_space<semaphore_mem>>
      %dma_start3A = arith.constant 0 : i32
      %dma_start3A_15 = arith.constant 0 : i32
      %dma_start3A_16 = tpu.memref_slice %arg3[%add3A, %dma_start3A, %dma_start3A_15] : memref<32x79x128xi32, #tpu.memory_space<hbm>> -> memref<1x79x128xi32, #tpu.memory_space<hbm>>
      %dma_start3A_17 = tpu.memref_squeeze %dma_start3A_16 : memref<1x79x128xi32, #tpu.memory_space<hbm>> -> memref<79x128xi32, #tpu.memory_space<hbm>>
      %dma_start3A_18 = arith.constant 0 : i32
      %dma_start3A_19 = arith.constant 0 : i32
      %dma_start3A_20 = tpu.memref_slice %arg3[%add3A, %dma_start3A_18, %dma_start3A_19] : memref<32x79x128xi32, #tpu.memory_space<hbm>> -> memref<1x79x128xi32, #tpu.memory_space<hbm>>
      %dma_start3A_21 = tpu.memref_squeeze %dma_start3A_20 : memref<1x79x128xi32, #tpu.memory_space<hbm>> -> memref<79x128xi32, #tpu.memory_space<hbm>>
      tpu.enqueue_dma source(%dma_start3A_21 : memref<79x128xi32, #tpu.memory_space<hbm>>) target(%arg7 : memref<79x128xi32, #tpu.memory_space<vmem>>) target_semaphore(%run_scoped3A : memref<!tpu.dma_semaphore, #tpu.memory_space<semaphore_mem>>)
      %dma_wait3A = arith.constant 0 : i32
      %dma_wait3A_22 = arith.constant 0 : i32
      %dma_wait3A_23 = tpu.memref_slice %arg3[%add3A, %dma_wait3A, %dma_wait3A_22] : memref<32x79x128xi32, #tpu.memory_space<hbm>> -> memref<1x79x128xi32, #tpu.memory_space<hbm>>
      %dma_wait3A_24 = tpu.memref_squeeze %dma_wait3A_23 : memref<1x79x128xi32, #tpu.memory_space<hbm>> -> memref<79x128xi32, #tpu.memory_space<hbm>>
      %dma_wait3A_25 = arith.constant 0 : i32
      %dma_wait3A_26 = arith.constant 0 : i32
      %dma_wait3A_27 = tpu.memref_slice %arg3[%add3A, %dma_wait3A_25, %dma_wait3A_26] : memref<32x79x128xi32, #tpu.memory_space<hbm>> -> memref<1x79x128xi32, #tpu.memory_space<hbm>>
      %dma_wait3A_28 = tpu.memref_squeeze %dma_wait3A_27 : memref<1x79x128xi32, #tpu.memory_space<hbm>> -> memref<79x128xi32, #tpu.memory_space<hbm>>
      tpu.wait_dma2 semaphore(%run_scoped3A : memref<!tpu.dma_semaphore, #tpu.memory_space<semaphore_mem>>) src(%dma_wait3A_28 : memref<79x128xi32, #tpu.memory_space<hbm>>) dst(%arg7 : memref<79x128xi32, #tpu.memory_space<vmem>>)
      tpu.yield
    }) : () -> ()
    "tpu.region"() ({
      %run_scoped3A = tpu.sem_alloc : memref<!tpu.dma_semaphore, #tpu.memory_space<semaphore_mem>>
      %dma_start3A = arith.constant 0 : i32
      %dma_start3A_15 = arith.constant 0 : i32
      %dma_start3A_16 = tpu.memref_slice %arg4[%add3A, %dma_start3A, %dma_start3A_15] : memref<32x79x128xi32, #tpu.memory_space<hbm>> -> memref<1x79x128xi32, #tpu.memory_space<hbm>>
      %dma_start3A_17 = tpu.memref_squeeze %dma_start3A_16 : memref<1x79x128xi32, #tpu.memory_space<hbm>> -> memref<79x128xi32, #tpu.memory_space<hbm>>
      %dma_start3A_18 = arith.constant 0 : i32
      %dma_start3A_19 = arith.constant 0 : i32
      %dma_start3A_20 = tpu.memref_slice %arg4[%add3A, %dma_start3A_18, %dma_start3A_19] : memref<32x79x128xi32, #tpu.memory_space<hbm>> -> memref<1x79x128xi32, #tpu.memory_space<hbm>>
      %dma_start3A_21 = tpu.memref_squeeze %dma_start3A_20 : memref<1x79x128xi32, #tpu.memory_space<hbm>> -> memref<79x128xi32, #tpu.memory_space<hbm>>
      tpu.enqueue_dma source(%dma_start3A_21 : memref<79x128xi32, #tpu.memory_space<hbm>>) target(%arg8 : memref<79x128xi32, #tpu.memory_space<vmem>>) target_semaphore(%run_scoped3A : memref<!tpu.dma_semaphore, #tpu.memory_space<semaphore_mem>>)
      %dma_wait3A = arith.constant 0 : i32
      %dma_wait3A_22 = arith.constant 0 : i32
      %dma_wait3A_23 = tpu.memref_slice %arg4[%add3A, %dma_wait3A, %dma_wait3A_22] : memref<32x79x128xi32, #tpu.memory_space<hbm>> -> memref<1x79x128xi32, #tpu.memory_space<hbm>>
      %dma_wait3A_24 = tpu.memref_squeeze %dma_wait3A_23 : memref<1x79x128xi32, #tpu.memory_space<hbm>> -> memref<79x128xi32, #tpu.memory_space<hbm>>
      %dma_wait3A_25 = arith.constant 0 : i32
      %dma_wait3A_26 = arith.constant 0 : i32
      %dma_wait3A_27 = tpu.memref_slice %arg4[%add3A, %dma_wait3A_25, %dma_wait3A_26] : memref<32x79x128xi32, #tpu.memory_space<hbm>> -> memref<1x79x128xi32, #tpu.memory_space<hbm>>
      %dma_wait3A_28 = tpu.memref_squeeze %dma_wait3A_27 : memref<1x79x128xi32, #tpu.memory_space<hbm>> -> memref<79x128xi32, #tpu.memory_space<hbm>>
      tpu.wait_dma2 semaphore(%run_scoped3A : memref<!tpu.dma_semaphore, #tpu.memory_space<semaphore_mem>>) src(%dma_wait3A_28 : memref<79x128xi32, #tpu.memory_space<hbm>>) dst(%arg8 : memref<79x128xi32, #tpu.memory_space<vmem>>)
      tpu.yield
    }) : () -> ()
    %barrier3A = arith.constant 0 : index
    tpu.barrier barrier_id(%barrier3A)
    %scan3A = arith.constant 0 : i32
    %scan3A_5 = arith.constant 0 : i32
    %scan3A_6 = arith.constant 79 : i32
    %scan3A_7 = arith.addi %scan3A_5, %scan3A_6 : i32
    %scan3A_8 = arith.constant 1 : i32
    scf.for %scan3A_15 = %scan3A_5 to %scan3A_7 step %scan3A_8  : i32 {
      %dma_start3A = arith.constant 0 : i32
      %dma_start3A_16 = tpu.memref_slice %arg7[%scan3A_15, %dma_start3A] : memref<79x128xi32, #tpu.memory_space<vmem>> -> memref<1x128xi32, #tpu.memory_space<vmem>>
      %dma_start3A_17 = tpu.memref_squeeze %dma_start3A_16 : memref<1x128xi32, #tpu.memory_space<vmem>> -> memref<128xi32, #tpu.memory_space<vmem>>
      %dma_start3A_18 = arith.constant 0 : i32
      %dma_start3A_19 = arith.constant 0 : i32
      %dma_start3A_20 = tpu.memref_slice %arg2[%dma_start3A_18, %dma_start3A_19] : memref<10000x128xf32, #tpu.memory_space<hbm>> -> memref<10000x128xf32, #tpu.memory_space<hbm>>
      tpu.enqueue_indirect_dma source(%dma_start3A_20 : memref<10000x128xf32, #tpu.memory_space<hbm>>) target(%arg9 : memref<128x128xf32, #tpu.memory_space<vmem>>) offsets(%dma_start3A_17 : memref<128xi32, #tpu.memory_space<vmem>>) semaphore(%arg11 : memref<!tpu.dma_semaphore, #tpu.memory_space<semaphore_mem>>)
      %dma_wait3A = arith.constant 0 : i32
      %dma_wait3A_21 = tpu.memref_slice %arg7[%scan3A_15, %dma_wait3A] : memref<79x128xi32, #tpu.memory_space<vmem>> -> memref<1x128xi32, #tpu.memory_space<vmem>>
      %dma_wait3A_22 = tpu.memref_squeeze %dma_wait3A_21 : memref<1x128xi32, #tpu.memory_space<vmem>> -> memref<128xi32, #tpu.memory_space<vmem>>
      %dma_wait3A_23 = arith.constant 0 : i32
      %dma_wait3A_24 = arith.constant 0 : i32
      %dma_wait3A_25 = tpu.memref_slice %arg2[%dma_wait3A_23, %dma_wait3A_24] : memref<10000x128xf32, #tpu.memory_space<hbm>> -> memref<10000x128xf32, #tpu.memory_space<hbm>>
      tpu.wait_indirect_dma semaphore(%arg11 : memref<!tpu.dma_semaphore, #tpu.memory_space<semaphore_mem>>) src(%dma_wait3A_25 : memref<10000x128xf32, #tpu.memory_space<hbm>>) dst(%arg9 : memref<128x128xf32, #tpu.memory_space<vmem>>)
      "tpu.region"() ({
        %run_scoped3A = tpu.sem_alloc : memref<!tpu.dma_semaphore, #tpu.memory_space<semaphore_mem>>
        %dma_start3A_26 = arith.constant 0 : i32
        %dma_start3A_27 = tpu.memref_slice %arg8[%scan3A_15, %dma_start3A_26] : memref<79x128xi32, #tpu.memory_space<vmem>> -> memref<1x128xi32, #tpu.memory_space<vmem>>
        %dma_start3A_28 = tpu.memref_squeeze %dma_start3A_27 : memref<1x128xi32, #tpu.memory_space<vmem>> -> memref<128xi32, #tpu.memory_space<vmem>>
        %dma_start3A_29 = arith.constant 0 : i32
        %dma_start3A_30 = arith.constant 0 : i32
        %dma_start3A_31 = tpu.memref_slice %arg10[%dma_start3A_29, %dma_start3A_30] : memref<10112x128xf32, #tpu.memory_space<vmem_shared>> -> memref<10112x128xf32, #tpu.memory_space<vmem_shared>>
        tpu.enqueue_indirect_dma source(%arg9 : memref<128x128xf32, #tpu.memory_space<vmem>>) target(%dma_start3A_31 : memref<10112x128xf32, #tpu.memory_space<vmem_shared>>) offsets(%dma_start3A_28 : memref<128xi32, #tpu.memory_space<vmem>>) semaphore(%run_scoped3A : memref<!tpu.dma_semaphore, #tpu.memory_space<semaphore_mem>>) {add = true}
        %dma_wait3A_32 = arith.constant 0 : i32
        %dma_wait3A_33 = tpu.memref_slice %arg8[%scan3A_15, %dma_wait3A_32] : memref<79x128xi32, #tpu.memory_space<vmem>> -> memref<1x128xi32, #tpu.memory_space<vmem>>
        %dma_wait3A_34 = tpu.memref_squeeze %dma_wait3A_33 : memref<1x128xi32, #tpu.memory_space<vmem>> -> memref<128xi32, #tpu.memory_space<vmem>>
        %dma_wait3A_35 = arith.constant 0 : i32
        %dma_wait3A_36 = arith.constant 0 : i32
        %dma_wait3A_37 = tpu.memref_slice %arg10[%dma_wait3A_35, %dma_wait3A_36] : memref<10112x128xf32, #tpu.memory_space<vmem_shared>> -> memref<10112x128xf32, #tpu.memory_space<vmem_shared>>
        tpu.wait_indirect_dma semaphore(%run_scoped3A : memref<!tpu.dma_semaphore, #tpu.memory_space<semaphore_mem>>) src(%arg9 : memref<128x128xf32, #tpu.memory_space<vmem>>) dst(%dma_wait3A_37 : memref<10112x128xf32, #tpu.memory_space<vmem_shared>>)
        tpu.yield
      }) : () -> ()
    }
    %scan3A_9 = arith.constant 79 : i32
    %barrier3A_10 = arith.constant 0 : index
    tpu.barrier barrier_id(%barrier3A_10)
    %mul3A_11 = arith.constant 632 : i32
    %mul3A_12 = arith.muli %arg1, %mul3A_11 : i32
    %mul3A_13 = arith.constant 632 : i32
    %mul3A_14 = arith.muli %arg1, %mul3A_13 : i32
    "tpu.region"() ({
      %run_scoped3A = tpu.sem_alloc : memref<!tpu.dma_semaphore, #tpu.memory_space<semaphore_mem>>
      %dma_start3A = arith.constant 0 : i32
      %dma_start3A_15 = tpu.memref_slice %arg6[%arg0, %mul3A_14, %dma_start3A] : memref<2x10112x128xf32, #tpu.memory_space<hbm>> -> memref<1x632x128xf32, #tpu.memory_space<hbm>>
      %dma_start3A_16 = tpu.memref_squeeze %dma_start3A_15 : memref<1x632x128xf32, #tpu.memory_space<hbm>> -> memref<632x128xf32, #tpu.memory_space<hbm>>
      %dma_start3A_17 = arith.constant 0 : i32
      %dma_start3A_18 = tpu.memref_slice %arg10[%mul3A_12, %dma_start3A_17] : memref<10112x128xf32, #tpu.memory_space<vmem_shared>> -> memref<632x128xf32, #tpu.memory_space<vmem_shared>>
      tpu.enqueue_dma source(%dma_start3A_18 : memref<632x128xf32, #tpu.memory_space<vmem_shared>>) target(%dma_start3A_16 : memref<632x128xf32, #tpu.memory_space<hbm>>) target_semaphore(%run_scoped3A : memref<!tpu.dma_semaphore, #tpu.memory_space<semaphore_mem>>)
      %dma_wait3A = arith.constant 0 : i32
      %dma_wait3A_19 = tpu.memref_slice %arg6[%arg0, %mul3A_14, %dma_wait3A] : memref<2x10112x128xf32, #tpu.memory_space<hbm>> -> memref<1x632x128xf32, #tpu.memory_space<hbm>>
      %dma_wait3A_20 = tpu.memref_squeeze %dma_wait3A_19 : memref<1x632x128xf32, #tpu.memory_space<hbm>> -> memref<632x128xf32, #tpu.memory_space<hbm>>
      %dma_wait3A_21 = arith.constant 0 : i32
      %dma_wait3A_22 = tpu.memref_slice %arg10[%mul3A_12, %dma_wait3A_21] : memref<10112x128xf32, #tpu.memory_space<vmem_shared>> -> memref<632x128xf32, #tpu.memory_space<vmem_shared>>
      tpu.wait_dma2 semaphore(%run_scoped3A : memref<!tpu.dma_semaphore, #tpu.memory_space<semaphore_mem>>) src(%dma_wait3A_22 : memref<632x128xf32, #tpu.memory_space<vmem_shared>>) dst(%dma_wait3A_20 : memref<632x128xf32, #tpu.memory_space<hbm>>)
      tpu.yield
    }) : () -> ()
    return
  }
}

#map = affine_map<(d0, d1) -> (0, 0)>
#map1 = affine_map<(d0, d1) -> (0, 0, 0)>
module attributes {stable_mosaic.version = 14 : i64} {
  func.func @agg_kernel(%arg0: i32, %arg1: i32, %arg2: memref<10000x128xf32, #tpu.memory_space<hbm>>, %arg3: memref<32x79x128xi32, #tpu.memory_space<hbm>>, %arg4: memref<32x79x128xi32, #tpu.memory_space<hbm>>, %arg5: memref<10112x128xf32, #tpu.memory_space<hbm>>, %arg6: memref<2x10112x128xf32, #tpu.memory_space<hbm>>, %arg7: memref<79x128xi32, #tpu.memory_space<vmem>>, %arg8: memref<79x128xi32, #tpu.memory_space<vmem>>, %arg9: memref<128x128xf32, #tpu.memory_space<vmem>>, %arg10: memref<10112x128xf32, #tpu.memory_space<vmem_shared>>, %arg11: memref<!tpu.dma_semaphore, #tpu.memory_space<semaphore_mem>>) attributes {dimension_semantics = [#tpu.dimension_semantics<core_parallel>, #tpu.dimension_semantics<subcore_parallel>], iteration_bounds = array<i64: 2, 16>, scalar_prefetch = 0 : i64, scratch_operands = 5 : i64, tpu.core_type = #tpu.core_type<sc_vector_subcore>, window_params = [{transform_indices = #map}, {transform_indices = #map1}, {transform_indices = #map1}, {transform_indices = #map}, {transform_indices = #map1}]} {
    %mul3A = arith.constant 16 : i32
    %mul3A_0 = arith.muli %arg0, %mul3A : i32
    %add3A = arith.addi %mul3A_0, %arg1 : i32
    %mul3A_1 = arith.constant 632 : i32
    %mul3A_2 = arith.muli %arg1, %mul3A_1 : i32
    %mul3A_3 = arith.constant 632 : i32
    %mul3A_4 = arith.muli %arg1, %mul3A_3 : i32
    "tpu.region"() ({
      %run_scoped3A = tpu.sem_alloc : memref<!tpu.dma_semaphore, #tpu.memory_space<semaphore_mem>>
      %dma_start3A = arith.constant 0 : i32
      %dma_start3A_15 = tpu.memref_slice %arg10[%mul3A_4, %dma_start3A] : memref<10112x128xf32, #tpu.memory_space<vmem_shared>> -> memref<632x128xf32, #tpu.memory_space<vmem_shared>>
      %dma_start3A_16 = arith.constant 0 : i32
      %dma_start3A_17 = tpu.memref_slice %arg5[%mul3A_2, %dma_start3A_16] : memref<10112x128xf32, #tpu.memory_space<hbm>> -> memref<632x128xf32, #tpu.memory_space<hbm>>
      tpu.enqueue_dma source(%dma_start3A_17 : memref<632x128xf32, #tpu.memory_space<hbm>>) target(%dma_start3A_15 : memref<632x128xf32, #tpu.memory_space<vmem_shared>>) target_semaphore(%run_scoped3A : memref<!tpu.dma_semaphore, #tpu.memory_space<semaphore_mem>>)
      %dma_wait3A = arith.constant 0 : i32
      %dma_wait3A_18 = tpu.memref_slice %arg10[%mul3A_4, %dma_wait3A] : memref<10112x128xf32, #tpu.memory_space<vmem_shared>> -> memref<632x128xf32, #tpu.memory_space<vmem_shared>>
      %dma_wait3A_19 = arith.constant 0 : i32
      %dma_wait3A_20 = tpu.memref_slice %arg5[%mul3A_2, %dma_wait3A_19] : memref<10112x128xf32, #tpu.memory_space<hbm>> -> memref<632x128xf32, #tpu.memory_space<hbm>>
      tpu.wait_dma2 semaphore(%run_scoped3A : memref<!tpu.dma_semaphore, #tpu.memory_space<semaphore_mem>>) src(%dma_wait3A_20 : memref<632x128xf32, #tpu.memory_space<hbm>>) dst(%dma_wait3A_18 : memref<632x128xf32, #tpu.memory_space<vmem_shared>>)
      tpu.yield
    }) : () -> ()
    "tpu.region"() ({
      %run_scoped3A = tpu.sem_alloc : memref<!tpu.dma_semaphore, #tpu.memory_space<semaphore_mem>>
      %dma_start3A = arith.constant 0 : i32
      %dma_start3A_15 = arith.constant 0 : i32
      %dma_start3A_16 = tpu.memref_slice %arg3[%add3A, %dma_start3A, %dma_start3A_15] : memref<32x79x128xi32, #tpu.memory_space<hbm>> -> memref<1x79x128xi32, #tpu.memory_space<hbm>>
      %dma_start3A_17 = tpu.memref_squeeze %dma_start3A_16 : memref<1x79x128xi32, #tpu.memory_space<hbm>> -> memref<79x128xi32, #tpu.memory_space<hbm>>
      %dma_start3A_18 = arith.constant 0 : i32
      %dma_start3A_19 = arith.constant 0 : i32
      %dma_start3A_20 = tpu.memref_slice %arg3[%add3A, %dma_start3A_18, %dma_start3A_19] : memref<32x79x128xi32, #tpu.memory_space<hbm>> -> memref<1x79x128xi32, #tpu.memory_space<hbm>>
      %dma_start3A_21 = tpu.memref_squeeze %dma_start3A_20 : memref<1x79x128xi32, #tpu.memory_space<hbm>> -> memref<79x128xi32, #tpu.memory_space<hbm>>
      tpu.enqueue_dma source(%dma_start3A_21 : memref<79x128xi32, #tpu.memory_space<hbm>>) target(%arg7 : memref<79x128xi32, #tpu.memory_space<vmem>>) target_semaphore(%run_scoped3A : memref<!tpu.dma_semaphore, #tpu.memory_space<semaphore_mem>>)
      %dma_wait3A = arith.constant 0 : i32
      %dma_wait3A_22 = arith.constant 0 : i32
      %dma_wait3A_23 = tpu.memref_slice %arg3[%add3A, %dma_wait3A, %dma_wait3A_22] : memref<32x79x128xi32, #tpu.memory_space<hbm>> -> memref<1x79x128xi32, #tpu.memory_space<hbm>>
      %dma_wait3A_24 = tpu.memref_squeeze %dma_wait3A_23 : memref<1x79x128xi32, #tpu.memory_space<hbm>> -> memref<79x128xi32, #tpu.memory_space<hbm>>
      %dma_wait3A_25 = arith.constant 0 : i32
      %dma_wait3A_26 = arith.constant 0 : i32
      %dma_wait3A_27 = tpu.memref_slice %arg3[%add3A, %dma_wait3A_25, %dma_wait3A_26] : memref<32x79x128xi32, #tpu.memory_space<hbm>> -> memref<1x79x128xi32, #tpu.memory_space<hbm>>
      %dma_wait3A_28 = tpu.memref_squeeze %dma_wait3A_27 : memref<1x79x128xi32, #tpu.memory_space<hbm>> -> memref<79x128xi32, #tpu.memory_space<hbm>>
      tpu.wait_dma2 semaphore(%run_scoped3A : memref<!tpu.dma_semaphore, #tpu.memory_space<semaphore_mem>>) src(%dma_wait3A_28 : memref<79x128xi32, #tpu.memory_space<hbm>>) dst(%arg7 : memref<79x128xi32, #tpu.memory_space<vmem>>)
      tpu.yield
    }) : () -> ()
    "tpu.region"() ({
      %run_scoped3A = tpu.sem_alloc : memref<!tpu.dma_semaphore, #tpu.memory_space<semaphore_mem>>
      %dma_start3A = arith.constant 0 : i32
      %dma_start3A_15 = arith.constant 0 : i32
      %dma_start3A_16 = tpu.memref_slice %arg4[%add3A, %dma_start3A, %dma_start3A_15] : memref<32x79x128xi32, #tpu.memory_space<hbm>> -> memref<1x79x128xi32, #tpu.memory_space<hbm>>
      %dma_start3A_17 = tpu.memref_squeeze %dma_start3A_16 : memref<1x79x128xi32, #tpu.memory_space<hbm>> -> memref<79x128xi32, #tpu.memory_space<hbm>>
      %dma_start3A_18 = arith.constant 0 : i32
      %dma_start3A_19 = arith.constant 0 : i32
      %dma_start3A_20 = tpu.memref_slice %arg4[%add3A, %dma_start3A_18, %dma_start3A_19] : memref<32x79x128xi32, #tpu.memory_space<hbm>> -> memref<1x79x128xi32, #tpu.memory_space<hbm>>
      %dma_start3A_21 = tpu.memref_squeeze %dma_start3A_20 : memref<1x79x128xi32, #tpu.memory_space<hbm>> -> memref<79x128xi32, #tpu.memory_space<hbm>>
      tpu.enqueue_dma source(%dma_start3A_21 : memref<79x128xi32, #tpu.memory_space<hbm>>) target(%arg8 : memref<79x128xi32, #tpu.memory_space<vmem>>) target_semaphore(%run_scoped3A : memref<!tpu.dma_semaphore, #tpu.memory_space<semaphore_mem>>)
      %dma_wait3A = arith.constant 0 : i32
      %dma_wait3A_22 = arith.constant 0 : i32
      %dma_wait3A_23 = tpu.memref_slice %arg4[%add3A, %dma_wait3A, %dma_wait3A_22] : memref<32x79x128xi32, #tpu.memory_space<hbm>> -> memref<1x79x128xi32, #tpu.memory_space<hbm>>
      %dma_wait3A_24 = tpu.memref_squeeze %dma_wait3A_23 : memref<1x79x128xi32, #tpu.memory_space<hbm>> -> memref<79x128xi32, #tpu.memory_space<hbm>>
      %dma_wait3A_25 = arith.constant 0 : i32
      %dma_wait3A_26 = arith.constant 0 : i32
      %dma_wait3A_27 = tpu.memref_slice %arg4[%add3A, %dma_wait3A_25, %dma_wait3A_26] : memref<32x79x128xi32, #tpu.memory_space<hbm>> -> memref<1x79x128xi32, #tpu.memory_space<hbm>>
      %dma_wait3A_28 = tpu.memref_squeeze %dma_wait3A_27 : memref<1x79x128xi32, #tpu.memory_space<hbm>> -> memref<79x128xi32, #tpu.memory_space<hbm>>
      tpu.wait_dma2 semaphore(%run_scoped3A : memref<!tpu.dma_semaphore, #tpu.memory_space<semaphore_mem>>) src(%dma_wait3A_28 : memref<79x128xi32, #tpu.memory_space<hbm>>) dst(%arg8 : memref<79x128xi32, #tpu.memory_space<vmem>>)
      tpu.yield
    }) : () -> ()
    %barrier3A = arith.constant 0 : index
    tpu.barrier barrier_id(%barrier3A)
    %scan3A = arith.constant 0 : i32
    %scan3A_5 = arith.constant 0 : i32
    %scan3A_6 = arith.constant 79 : i32
    %scan3A_7 = arith.addi %scan3A_5, %scan3A_6 : i32
    %scan3A_8 = arith.constant 1 : i32
    scf.for %scan3A_15 = %scan3A_5 to %scan3A_7 step %scan3A_8  : i32 {
      %dma_start3A = arith.constant 0 : i32
      %dma_start3A_16 = tpu.memref_slice %arg7[%scan3A_15, %dma_start3A] : memref<79x128xi32, #tpu.memory_space<vmem>> -> memref<1x128xi32, #tpu.memory_space<vmem>>
      %dma_start3A_17 = tpu.memref_squeeze %dma_start3A_16 : memref<1x128xi32, #tpu.memory_space<vmem>> -> memref<128xi32, #tpu.memory_space<vmem>>
      %dma_start3A_18 = arith.constant 0 : i32
      %dma_start3A_19 = arith.constant 0 : i32
      %dma_start3A_20 = tpu.memref_slice %arg2[%dma_start3A_18, %dma_start3A_19] : memref<10000x128xf32, #tpu.memory_space<hbm>> -> memref<10000x128xf32, #tpu.memory_space<hbm>>
      tpu.enqueue_indirect_dma source(%dma_start3A_20 : memref<10000x128xf32, #tpu.memory_space<hbm>>) target(%arg9 : memref<128x128xf32, #tpu.memory_space<vmem>>) offsets(%dma_start3A_17 : memref<128xi32, #tpu.memory_space<vmem>>) semaphore(%arg11 : memref<!tpu.dma_semaphore, #tpu.memory_space<semaphore_mem>>)
      %dma_wait3A = arith.constant 0 : i32
      %dma_wait3A_21 = tpu.memref_slice %arg7[%scan3A_15, %dma_wait3A] : memref<79x128xi32, #tpu.memory_space<vmem>> -> memref<1x128xi32, #tpu.memory_space<vmem>>
      %dma_wait3A_22 = tpu.memref_squeeze %dma_wait3A_21 : memref<1x128xi32, #tpu.memory_space<vmem>> -> memref<128xi32, #tpu.memory_space<vmem>>
      %dma_wait3A_23 = arith.constant 0 : i32
      %dma_wait3A_24 = arith.constant 0 : i32
      %dma_wait3A_25 = tpu.memref_slice %arg2[%dma_wait3A_23, %dma_wait3A_24] : memref<10000x128xf32, #tpu.memory_space<hbm>> -> memref<10000x128xf32, #tpu.memory_space<hbm>>
      tpu.wait_indirect_dma semaphore(%arg11 : memref<!tpu.dma_semaphore, #tpu.memory_space<semaphore_mem>>) src(%dma_wait3A_25 : memref<10000x128xf32, #tpu.memory_space<hbm>>) dst(%arg9 : memref<128x128xf32, #tpu.memory_space<vmem>>)
      "tpu.region"() ({
        %run_scoped3A = tpu.sem_alloc : memref<!tpu.dma_semaphore, #tpu.memory_space<semaphore_mem>>
        %dma_start3A_26 = arith.constant 0 : i32
        %dma_start3A_27 = tpu.memref_slice %arg8[%scan3A_15, %dma_start3A_26] : memref<79x128xi32, #tpu.memory_space<vmem>> -> memref<1x128xi32, #tpu.memory_space<vmem>>
        %dma_start3A_28 = tpu.memref_squeeze %dma_start3A_27 : memref<1x128xi32, #tpu.memory_space<vmem>> -> memref<128xi32, #tpu.memory_space<vmem>>
        %dma_start3A_29 = arith.constant 0 : i32
        %dma_start3A_30 = arith.constant 0 : i32
        %dma_start3A_31 = tpu.memref_slice %arg10[%dma_start3A_29, %dma_start3A_30] : memref<10112x128xf32, #tpu.memory_space<vmem_shared>> -> memref<10112x128xf32, #tpu.memory_space<vmem_shared>>
        tpu.enqueue_indirect_dma source(%arg9 : memref<128x128xf32, #tpu.memory_space<vmem>>) target(%dma_start3A_31 : memref<10112x128xf32, #tpu.memory_space<vmem_shared>>) offsets(%dma_start3A_28 : memref<128xi32, #tpu.memory_space<vmem>>) semaphore(%run_scoped3A : memref<!tpu.dma_semaphore, #tpu.memory_space<semaphore_mem>>) {add = true}
        %dma_wait3A_32 = arith.constant 0 : i32
        %dma_wait3A_33 = tpu.memref_slice %arg8[%scan3A_15, %dma_wait3A_32] : memref<79x128xi32, #tpu.memory_space<vmem>> -> memref<1x128xi32, #tpu.memory_space<vmem>>
        %dma_wait3A_34 = tpu.memref_squeeze %dma_wait3A_33 : memref<1x128xi32, #tpu.memory_space<vmem>> -> memref<128xi32, #tpu.memory_space<vmem>>
        %dma_wait3A_35 = arith.constant 0 : i32
        %dma_wait3A_36 = arith.constant 0 : i32
        %dma_wait3A_37 = tpu.memref_slice %arg10[%dma_wait3A_35, %dma_wait3A_36] : memref<10112x128xf32, #tpu.memory_space<vmem_shared>> -> memref<10112x128xf32, #tpu.memory_space<vmem_shared>>
        tpu.wait_indirect_dma semaphore(%run_scoped3A : memref<!tpu.dma_semaphore, #tpu.memory_space<semaphore_mem>>) src(%arg9 : memref<128x128xf32, #tpu.memory_space<vmem>>) dst(%dma_wait3A_37 : memref<10112x128xf32, #tpu.memory_space<vmem_shared>>)
        tpu.yield
      }) : () -> ()
    }
    %scan3A_9 = arith.constant 79 : i32
    %barrier3A_10 = arith.constant 0 : index
    tpu.barrier barrier_id(%barrier3A_10)
    %mul3A_11 = arith.constant 632 : i32
    %mul3A_12 = arith.muli %arg1, %mul3A_11 : i32
    %mul3A_13 = arith.constant 632 : i32
    %mul3A_14 = arith.muli %arg1, %mul3A_13 : i32
    "tpu.region"() ({
      %run_scoped3A = tpu.sem_alloc : memref<!tpu.dma_semaphore, #tpu.memory_space<semaphore_mem>>
      %dma_start3A = arith.constant 0 : i32
      %dma_start3A_15 = tpu.memref_slice %arg6[%arg0, %mul3A_14, %dma_start3A] : memref<2x10112x128xf32, #tpu.memory_space<hbm>> -> memref<1x632x128xf32, #tpu.memory_space<hbm>>
      %dma_start3A_16 = tpu.memref_squeeze %dma_start3A_15 : memref<1x632x128xf32, #tpu.memory_space<hbm>> -> memref<632x128xf32, #tpu.memory_space<hbm>>
      %dma_start3A_17 = arith.constant 0 : i32
      %dma_start3A_18 = tpu.memref_slice %arg10[%mul3A_12, %dma_start3A_17] : memref<10112x128xf32, #tpu.memory_space<vmem_shared>> -> memref<632x128xf32, #tpu.memory_space<vmem_shared>>
      tpu.enqueue_dma source(%dma_start3A_18 : memref<632x128xf32, #tpu.memory_space<vmem_shared>>) target(%dma_start3A_16 : memref<632x128xf32, #tpu.memory_space<hbm>>) target_semaphore(%run_scoped3A : memref<!tpu.dma_semaphore, #tpu.memory_space<semaphore_mem>>)
      %dma_wait3A = arith.constant 0 : i32
      %dma_wait3A_19 = tpu.memref_slice %arg6[%arg0, %mul3A_14, %dma_wait3A] : memref<2x10112x128xf32, #tpu.memory_space<hbm>> -> memref<1x632x128xf32, #tpu.memory_space<hbm>>
      %dma_wait3A_20 = tpu.memref_squeeze %dma_wait3A_19 : memref<1x632x128xf32, #tpu.memory_space<hbm>> -> memref<632x128xf32, #tpu.memory_space<hbm>>
      %dma_wait3A_21 = arith.constant 0 : i32
      %dma_wait3A_22 = tpu.memref_slice %arg10[%mul3A_12, %dma_wait3A_21] : memref<10112x128xf32, #tpu.memory_space<vmem_shared>> -> memref<632x128xf32, #tpu.memory_space<vmem_shared>>
      tpu.wait_dma2 semaphore(%run_scoped3A : memref<!tpu.dma_semaphore, #tpu.memory_space<semaphore_mem>>) src(%dma_wait3A_22 : memref<632x128xf32, #tpu.memory_space<vmem_shared>>) dst(%dma_wait3A_20 : memref<632x128xf32, #tpu.memory_space<hbm>>)
      tpu.yield
    }) : () -> ()
    return
  }
}

#map = affine_map<(d0, d1) -> (0, 0)>
#map1 = affine_map<(d0, d1) -> (0, 0, 0)>
module attributes {stable_mosaic.version = 14 : i64} {
  func.func @agg_kernel(%arg0: i32, %arg1: i32, %arg2: memref<10000x128xf32, #tpu.memory_space<hbm>>, %arg3: memref<32x79x128xi32, #tpu.memory_space<hbm>>, %arg4: memref<32x79x128xi32, #tpu.memory_space<hbm>>, %arg5: memref<10112x128xf32, #tpu.memory_space<hbm>>, %arg6: memref<2x10112x128xf32, #tpu.memory_space<hbm>>, %arg7: memref<79x128xi32, #tpu.memory_space<vmem>>, %arg8: memref<79x128xi32, #tpu.memory_space<vmem>>, %arg9: memref<128x128xf32, #tpu.memory_space<vmem>>, %arg10: memref<10112x128xf32, #tpu.memory_space<vmem_shared>>, %arg11: memref<!tpu.dma_semaphore, #tpu.memory_space<semaphore_mem>>) attributes {dimension_semantics = [#tpu.dimension_semantics<core_parallel>, #tpu.dimension_semantics<subcore_parallel>], iteration_bounds = array<i64: 2, 16>, scalar_prefetch = 0 : i64, scratch_operands = 5 : i64, tpu.core_type = #tpu.core_type<sc_vector_subcore>, window_params = [{transform_indices = #map}, {transform_indices = #map1}, {transform_indices = #map1}, {transform_indices = #map}, {transform_indices = #map1}]} {
    %mul3A = arith.constant 16 : i32
    %mul3A_0 = arith.muli %arg0, %mul3A : i32
    %add3A = arith.addi %mul3A_0, %arg1 : i32
    %mul3A_1 = arith.constant 632 : i32
    %mul3A_2 = arith.muli %arg1, %mul3A_1 : i32
    %mul3A_3 = arith.constant 632 : i32
    %mul3A_4 = arith.muli %arg1, %mul3A_3 : i32
    "tpu.region"() ({
      %run_scoped3A = tpu.sem_alloc : memref<!tpu.dma_semaphore, #tpu.memory_space<semaphore_mem>>
      %dma_start3A = arith.constant 0 : i32
      %dma_start3A_15 = tpu.memref_slice %arg10[%mul3A_4, %dma_start3A] : memref<10112x128xf32, #tpu.memory_space<vmem_shared>> -> memref<632x128xf32, #tpu.memory_space<vmem_shared>>
      %dma_start3A_16 = arith.constant 0 : i32
      %dma_start3A_17 = tpu.memref_slice %arg5[%mul3A_2, %dma_start3A_16] : memref<10112x128xf32, #tpu.memory_space<hbm>> -> memref<632x128xf32, #tpu.memory_space<hbm>>
      tpu.enqueue_dma source(%dma_start3A_17 : memref<632x128xf32, #tpu.memory_space<hbm>>) target(%dma_start3A_15 : memref<632x128xf32, #tpu.memory_space<vmem_shared>>) target_semaphore(%run_scoped3A : memref<!tpu.dma_semaphore, #tpu.memory_space<semaphore_mem>>)
      %dma_wait3A = arith.constant 0 : i32
      %dma_wait3A_18 = tpu.memref_slice %arg10[%mul3A_4, %dma_wait3A] : memref<10112x128xf32, #tpu.memory_space<vmem_shared>> -> memref<632x128xf32, #tpu.memory_space<vmem_shared>>
      %dma_wait3A_19 = arith.constant 0 : i32
      %dma_wait3A_20 = tpu.memref_slice %arg5[%mul3A_2, %dma_wait3A_19] : memref<10112x128xf32, #tpu.memory_space<hbm>> -> memref<632x128xf32, #tpu.memory_space<hbm>>
      tpu.wait_dma2 semaphore(%run_scoped3A : memref<!tpu.dma_semaphore, #tpu.memory_space<semaphore_mem>>) src(%dma_wait3A_20 : memref<632x128xf32, #tpu.memory_space<hbm>>) dst(%dma_wait3A_18 : memref<632x128xf32, #tpu.memory_space<vmem_shared>>)
      tpu.yield
    }) : () -> ()
    "tpu.region"() ({
      %run_scoped3A = tpu.sem_alloc : memref<!tpu.dma_semaphore, #tpu.memory_space<semaphore_mem>>
      %dma_start3A = arith.constant 0 : i32
      %dma_start3A_15 = arith.constant 0 : i32
      %dma_start3A_16 = tpu.memref_slice %arg3[%add3A, %dma_start3A, %dma_start3A_15] : memref<32x79x128xi32, #tpu.memory_space<hbm>> -> memref<1x79x128xi32, #tpu.memory_space<hbm>>
      %dma_start3A_17 = tpu.memref_squeeze %dma_start3A_16 : memref<1x79x128xi32, #tpu.memory_space<hbm>> -> memref<79x128xi32, #tpu.memory_space<hbm>>
      %dma_start3A_18 = arith.constant 0 : i32
      %dma_start3A_19 = arith.constant 0 : i32
      %dma_start3A_20 = tpu.memref_slice %arg3[%add3A, %dma_start3A_18, %dma_start3A_19] : memref<32x79x128xi32, #tpu.memory_space<hbm>> -> memref<1x79x128xi32, #tpu.memory_space<hbm>>
      %dma_start3A_21 = tpu.memref_squeeze %dma_start3A_20 : memref<1x79x128xi32, #tpu.memory_space<hbm>> -> memref<79x128xi32, #tpu.memory_space<hbm>>
      tpu.enqueue_dma source(%dma_start3A_21 : memref<79x128xi32, #tpu.memory_space<hbm>>) target(%arg7 : memref<79x128xi32, #tpu.memory_space<vmem>>) target_semaphore(%run_scoped3A : memref<!tpu.dma_semaphore, #tpu.memory_space<semaphore_mem>>)
      %dma_wait3A = arith.constant 0 : i32
      %dma_wait3A_22 = arith.constant 0 : i32
      %dma_wait3A_23 = tpu.memref_slice %arg3[%add3A, %dma_wait3A, %dma_wait3A_22] : memref<32x79x128xi32, #tpu.memory_space<hbm>> -> memref<1x79x128xi32, #tpu.memory_space<hbm>>
      %dma_wait3A_24 = tpu.memref_squeeze %dma_wait3A_23 : memref<1x79x128xi32, #tpu.memory_space<hbm>> -> memref<79x128xi32, #tpu.memory_space<hbm>>
      %dma_wait3A_25 = arith.constant 0 : i32
      %dma_wait3A_26 = arith.constant 0 : i32
      %dma_wait3A_27 = tpu.memref_slice %arg3[%add3A, %dma_wait3A_25, %dma_wait3A_26] : memref<32x79x128xi32, #tpu.memory_space<hbm>> -> memref<1x79x128xi32, #tpu.memory_space<hbm>>
      %dma_wait3A_28 = tpu.memref_squeeze %dma_wait3A_27 : memref<1x79x128xi32, #tpu.memory_space<hbm>> -> memref<79x128xi32, #tpu.memory_space<hbm>>
      tpu.wait_dma2 semaphore(%run_scoped3A : memref<!tpu.dma_semaphore, #tpu.memory_space<semaphore_mem>>) src(%dma_wait3A_28 : memref<79x128xi32, #tpu.memory_space<hbm>>) dst(%arg7 : memref<79x128xi32, #tpu.memory_space<vmem>>)
      tpu.yield
    }) : () -> ()
    "tpu.region"() ({
      %run_scoped3A = tpu.sem_alloc : memref<!tpu.dma_semaphore, #tpu.memory_space<semaphore_mem>>
      %dma_start3A = arith.constant 0 : i32
      %dma_start3A_15 = arith.constant 0 : i32
      %dma_start3A_16 = tpu.memref_slice %arg4[%add3A, %dma_start3A, %dma_start3A_15] : memref<32x79x128xi32, #tpu.memory_space<hbm>> -> memref<1x79x128xi32, #tpu.memory_space<hbm>>
      %dma_start3A_17 = tpu.memref_squeeze %dma_start3A_16 : memref<1x79x128xi32, #tpu.memory_space<hbm>> -> memref<79x128xi32, #tpu.memory_space<hbm>>
      %dma_start3A_18 = arith.constant 0 : i32
      %dma_start3A_19 = arith.constant 0 : i32
      %dma_start3A_20 = tpu.memref_slice %arg4[%add3A, %dma_start3A_18, %dma_start3A_19] : memref<32x79x128xi32, #tpu.memory_space<hbm>> -> memref<1x79x128xi32, #tpu.memory_space<hbm>>
      %dma_start3A_21 = tpu.memref_squeeze %dma_start3A_20 : memref<1x79x128xi32, #tpu.memory_space<hbm>> -> memref<79x128xi32, #tpu.memory_space<hbm>>
      tpu.enqueue_dma source(%dma_start3A_21 : memref<79x128xi32, #tpu.memory_space<hbm>>) target(%arg8 : memref<79x128xi32, #tpu.memory_space<vmem>>) target_semaphore(%run_scoped3A : memref<!tpu.dma_semaphore, #tpu.memory_space<semaphore_mem>>)
      %dma_wait3A = arith.constant 0 : i32
      %dma_wait3A_22 = arith.constant 0 : i32
      %dma_wait3A_23 = tpu.memref_slice %arg4[%add3A, %dma_wait3A, %dma_wait3A_22] : memref<32x79x128xi32, #tpu.memory_space<hbm>> -> memref<1x79x128xi32, #tpu.memory_space<hbm>>
      %dma_wait3A_24 = tpu.memref_squeeze %dma_wait3A_23 : memref<1x79x128xi32, #tpu.memory_space<hbm>> -> memref<79x128xi32, #tpu.memory_space<hbm>>
      %dma_wait3A_25 = arith.constant 0 : i32
      %dma_wait3A_26 = arith.constant 0 : i32
      %dma_wait3A_27 = tpu.memref_slice %arg4[%add3A, %dma_wait3A_25, %dma_wait3A_26] : memref<32x79x128xi32, #tpu.memory_space<hbm>> -> memref<1x79x128xi32, #tpu.memory_space<hbm>>
      %dma_wait3A_28 = tpu.memref_squeeze %dma_wait3A_27 : memref<1x79x128xi32, #tpu.memory_space<hbm>> -> memref<79x128xi32, #tpu.memory_space<hbm>>
      tpu.wait_dma2 semaphore(%run_scoped3A : memref<!tpu.dma_semaphore, #tpu.memory_space<semaphore_mem>>) src(%dma_wait3A_28 : memref<79x128xi32, #tpu.memory_space<hbm>>) dst(%arg8 : memref<79x128xi32, #tpu.memory_space<vmem>>)
      tpu.yield
    }) : () -> ()
    %barrier3A = arith.constant 0 : index
    tpu.barrier barrier_id(%barrier3A)
    %scan3A = arith.constant 0 : i32
    %scan3A_5 = arith.constant 0 : i32
    %scan3A_6 = arith.constant 79 : i32
    %scan3A_7 = arith.addi %scan3A_5, %scan3A_6 : i32
    %scan3A_8 = arith.constant 1 : i32
    scf.for %scan3A_15 = %scan3A_5 to %scan3A_7 step %scan3A_8  : i32 {
      %dma_start3A = arith.constant 0 : i32
      %dma_start3A_16 = tpu.memref_slice %arg7[%scan3A_15, %dma_start3A] : memref<79x128xi32, #tpu.memory_space<vmem>> -> memref<1x128xi32, #tpu.memory_space<vmem>>
      %dma_start3A_17 = tpu.memref_squeeze %dma_start3A_16 : memref<1x128xi32, #tpu.memory_space<vmem>> -> memref<128xi32, #tpu.memory_space<vmem>>
      %dma_start3A_18 = arith.constant 0 : i32
      %dma_start3A_19 = arith.constant 0 : i32
      %dma_start3A_20 = tpu.memref_slice %arg2[%dma_start3A_18, %dma_start3A_19] : memref<10000x128xf32, #tpu.memory_space<hbm>> -> memref<10000x128xf32, #tpu.memory_space<hbm>>
      tpu.enqueue_indirect_dma source(%dma_start3A_20 : memref<10000x128xf32, #tpu.memory_space<hbm>>) target(%arg9 : memref<128x128xf32, #tpu.memory_space<vmem>>) offsets(%dma_start3A_17 : memref<128xi32, #tpu.memory_space<vmem>>) semaphore(%arg11 : memref<!tpu.dma_semaphore, #tpu.memory_space<semaphore_mem>>)
      %dma_wait3A = arith.constant 0 : i32
      %dma_wait3A_21 = tpu.memref_slice %arg7[%scan3A_15, %dma_wait3A] : memref<79x128xi32, #tpu.memory_space<vmem>> -> memref<1x128xi32, #tpu.memory_space<vmem>>
      %dma_wait3A_22 = tpu.memref_squeeze %dma_wait3A_21 : memref<1x128xi32, #tpu.memory_space<vmem>> -> memref<128xi32, #tpu.memory_space<vmem>>
      %dma_wait3A_23 = arith.constant 0 : i32
      %dma_wait3A_24 = arith.constant 0 : i32
      %dma_wait3A_25 = tpu.memref_slice %arg2[%dma_wait3A_23, %dma_wait3A_24] : memref<10000x128xf32, #tpu.memory_space<hbm>> -> memref<10000x128xf32, #tpu.memory_space<hbm>>
      tpu.wait_indirect_dma semaphore(%arg11 : memref<!tpu.dma_semaphore, #tpu.memory_space<semaphore_mem>>) src(%dma_wait3A_25 : memref<10000x128xf32, #tpu.memory_space<hbm>>) dst(%arg9 : memref<128x128xf32, #tpu.memory_space<vmem>>)
      "tpu.region"() ({
        %run_scoped3A = tpu.sem_alloc : memref<!tpu.dma_semaphore, #tpu.memory_space<semaphore_mem>>
        %dma_start3A_26 = arith.constant 0 : i32
        %dma_start3A_27 = tpu.memref_slice %arg8[%scan3A_15, %dma_start3A_26] : memref<79x128xi32, #tpu.memory_space<vmem>> -> memref<1x128xi32, #tpu.memory_space<vmem>>
        %dma_start3A_28 = tpu.memref_squeeze %dma_start3A_27 : memref<1x128xi32, #tpu.memory_space<vmem>> -> memref<128xi32, #tpu.memory_space<vmem>>
        %dma_start3A_29 = arith.constant 0 : i32
        %dma_start3A_30 = arith.constant 0 : i32
        %dma_start3A_31 = tpu.memref_slice %arg10[%dma_start3A_29, %dma_start3A_30] : memref<10112x128xf32, #tpu.memory_space<vmem_shared>> -> memref<10112x128xf32, #tpu.memory_space<vmem_shared>>
        tpu.enqueue_indirect_dma source(%arg9 : memref<128x128xf32, #tpu.memory_space<vmem>>) target(%dma_start3A_31 : memref<10112x128xf32, #tpu.memory_space<vmem_shared>>) offsets(%dma_start3A_28 : memref<128xi32, #tpu.memory_space<vmem>>) semaphore(%run_scoped3A : memref<!tpu.dma_semaphore, #tpu.memory_space<semaphore_mem>>) {add = true}
        %dma_wait3A_32 = arith.constant 0 : i32
        %dma_wait3A_33 = tpu.memref_slice %arg8[%scan3A_15, %dma_wait3A_32] : memref<79x128xi32, #tpu.memory_space<vmem>> -> memref<1x128xi32, #tpu.memory_space<vmem>>
        %dma_wait3A_34 = tpu.memref_squeeze %dma_wait3A_33 : memref<1x128xi32, #tpu.memory_space<vmem>> -> memref<128xi32, #tpu.memory_space<vmem>>
        %dma_wait3A_35 = arith.constant 0 : i32
        %dma_wait3A_36 = arith.constant 0 : i32
        %dma_wait3A_37 = tpu.memref_slice %arg10[%dma_wait3A_35, %dma_wait3A_36] : memref<10112x128xf32, #tpu.memory_space<vmem_shared>> -> memref<10112x128xf32, #tpu.memory_space<vmem_shared>>
        tpu.wait_indirect_dma semaphore(%run_scoped3A : memref<!tpu.dma_semaphore, #tpu.memory_space<semaphore_mem>>) src(%arg9 : memref<128x128xf32, #tpu.memory_space<vmem>>) dst(%dma_wait3A_37 : memref<10112x128xf32, #tpu.memory_space<vmem_shared>>)
        tpu.yield
      }) : () -> ()
    }
    %scan3A_9 = arith.constant 79 : i32
    %barrier3A_10 = arith.constant 0 : index
    tpu.barrier barrier_id(%barrier3A_10)
    %mul3A_11 = arith.constant 632 : i32
    %mul3A_12 = arith.muli %arg1, %mul3A_11 : i32
    %mul3A_13 = arith.constant 632 : i32
    %mul3A_14 = arith.muli %arg1, %mul3A_13 : i32
    "tpu.region"() ({
      %run_scoped3A = tpu.sem_alloc : memref<!tpu.dma_semaphore, #tpu.memory_space<semaphore_mem>>
      %dma_start3A = arith.constant 0 : i32
      %dma_start3A_15 = tpu.memref_slice %arg6[%arg0, %mul3A_14, %dma_start3A] : memref<2x10112x128xf32, #tpu.memory_space<hbm>> -> memref<1x632x128xf32, #tpu.memory_space<hbm>>
      %dma_start3A_16 = tpu.memref_squeeze %dma_start3A_15 : memref<1x632x128xf32, #tpu.memory_space<hbm>> -> memref<632x128xf32, #tpu.memory_space<hbm>>
      %dma_start3A_17 = arith.constant 0 : i32
      %dma_start3A_18 = tpu.memref_slice %arg10[%mul3A_12, %dma_start3A_17] : memref<10112x128xf32, #tpu.memory_space<vmem_shared>> -> memref<632x128xf32, #tpu.memory_space<vmem_shared>>
      tpu.enqueue_dma source(%dma_start3A_18 : memref<632x128xf32, #tpu.memory_space<vmem_shared>>) target(%dma_start3A_16 : memref<632x128xf32, #tpu.memory_space<hbm>>) target_semaphore(%run_scoped3A : memref<!tpu.dma_semaphore, #tpu.memory_space<semaphore_mem>>)
      %dma_wait3A = arith.constant 0 : i32
      %dma_wait3A_19 = tpu.memref_slice %arg6[%arg0, %mul3A_14, %dma_wait3A] : memref<2x10112x128xf32, #tpu.memory_space<hbm>> -> memref<1x632x128xf32, #tpu.memory_space<hbm>>
      %dma_wait3A_20 = tpu.memref_squeeze %dma_wait3A_19 : memref<1x632x128xf32, #tpu.memory_space<hbm>> -> memref<632x128xf32, #tpu.memory_space<hbm>>
      %dma_wait3A_21 = arith.constant 0 : i32
      %dma_wait3A_22 = tpu.memref_slice %arg10[%mul3A_12, %dma_wait3A_21] : memref<10112x128xf32, #tpu.memory_space<vmem_shared>> -> memref<632x128xf32, #tpu.memory_space<vmem_shared>>
      tpu.wait_dma2 semaphore(%run_scoped3A : memref<!tpu.dma_semaphore, #tpu.memory_space<semaphore_mem>>) src(%dma_wait3A_22 : memref<632x128xf32, #tpu.memory_space<vmem_shared>>) dst(%dma_wait3A_20 : memref<632x128xf32, #tpu.memory_space<hbm>>)
      tpu.yield
    }) : () -> ()
    return
  }
}

#map = affine_map<(d0, d1) -> (0, 0)>
#map1 = affine_map<(d0, d1) -> (0, 0, 0)>
module attributes {stable_mosaic.version = 14 : i64} {
  func.func @agg_kernel(%arg0: i32, %arg1: i32, %arg2: memref<10000x128xf32, #tpu.memory_space<hbm>>, %arg3: memref<32x79x128xi32, #tpu.memory_space<hbm>>, %arg4: memref<32x79x128xi32, #tpu.memory_space<hbm>>, %arg5: memref<10112x128xf32, #tpu.memory_space<hbm>>, %arg6: memref<2x10112x128xf32, #tpu.memory_space<hbm>>, %arg7: memref<79x128xi32, #tpu.memory_space<vmem>>, %arg8: memref<79x128xi32, #tpu.memory_space<vmem>>, %arg9: memref<128x128xf32, #tpu.memory_space<vmem>>, %arg10: memref<10112x128xf32, #tpu.memory_space<vmem_shared>>, %arg11: memref<!tpu.dma_semaphore, #tpu.memory_space<semaphore_mem>>) attributes {dimension_semantics = [#tpu.dimension_semantics<core_parallel>, #tpu.dimension_semantics<subcore_parallel>], iteration_bounds = array<i64: 2, 16>, scalar_prefetch = 0 : i64, scratch_operands = 5 : i64, tpu.core_type = #tpu.core_type<sc_vector_subcore>, window_params = [{transform_indices = #map}, {transform_indices = #map1}, {transform_indices = #map1}, {transform_indices = #map}, {transform_indices = #map1}]} {
    %mul3A = arith.constant 16 : i32
    %mul3A_0 = arith.muli %arg0, %mul3A : i32
    %add3A = arith.addi %mul3A_0, %arg1 : i32
    %mul3A_1 = arith.constant 632 : i32
    %mul3A_2 = arith.muli %arg1, %mul3A_1 : i32
    %mul3A_3 = arith.constant 632 : i32
    %mul3A_4 = arith.muli %arg1, %mul3A_3 : i32
    "tpu.region"() ({
      %run_scoped3A = tpu.sem_alloc : memref<!tpu.dma_semaphore, #tpu.memory_space<semaphore_mem>>
      %dma_start3A = arith.constant 0 : i32
      %dma_start3A_15 = tpu.memref_slice %arg10[%mul3A_4, %dma_start3A] : memref<10112x128xf32, #tpu.memory_space<vmem_shared>> -> memref<632x128xf32, #tpu.memory_space<vmem_shared>>
      %dma_start3A_16 = arith.constant 0 : i32
      %dma_start3A_17 = tpu.memref_slice %arg5[%mul3A_2, %dma_start3A_16] : memref<10112x128xf32, #tpu.memory_space<hbm>> -> memref<632x128xf32, #tpu.memory_space<hbm>>
      tpu.enqueue_dma source(%dma_start3A_17 : memref<632x128xf32, #tpu.memory_space<hbm>>) target(%dma_start3A_15 : memref<632x128xf32, #tpu.memory_space<vmem_shared>>) target_semaphore(%run_scoped3A : memref<!tpu.dma_semaphore, #tpu.memory_space<semaphore_mem>>)
      %dma_wait3A = arith.constant 0 : i32
      %dma_wait3A_18 = tpu.memref_slice %arg10[%mul3A_4, %dma_wait3A] : memref<10112x128xf32, #tpu.memory_space<vmem_shared>> -> memref<632x128xf32, #tpu.memory_space<vmem_shared>>
      %dma_wait3A_19 = arith.constant 0 : i32
      %dma_wait3A_20 = tpu.memref_slice %arg5[%mul3A_2, %dma_wait3A_19] : memref<10112x128xf32, #tpu.memory_space<hbm>> -> memref<632x128xf32, #tpu.memory_space<hbm>>
      tpu.wait_dma2 semaphore(%run_scoped3A : memref<!tpu.dma_semaphore, #tpu.memory_space<semaphore_mem>>) src(%dma_wait3A_20 : memref<632x128xf32, #tpu.memory_space<hbm>>) dst(%dma_wait3A_18 : memref<632x128xf32, #tpu.memory_space<vmem_shared>>)
      tpu.yield
    }) : () -> ()
    "tpu.region"() ({
      %run_scoped3A = tpu.sem_alloc : memref<!tpu.dma_semaphore, #tpu.memory_space<semaphore_mem>>
      %dma_start3A = arith.constant 0 : i32
      %dma_start3A_15 = arith.constant 0 : i32
      %dma_start3A_16 = tpu.memref_slice %arg3[%add3A, %dma_start3A, %dma_start3A_15] : memref<32x79x128xi32, #tpu.memory_space<hbm>> -> memref<1x79x128xi32, #tpu.memory_space<hbm>>
      %dma_start3A_17 = tpu.memref_squeeze %dma_start3A_16 : memref<1x79x128xi32, #tpu.memory_space<hbm>> -> memref<79x128xi32, #tpu.memory_space<hbm>>
      %dma_start3A_18 = arith.constant 0 : i32
      %dma_start3A_19 = arith.constant 0 : i32
      %dma_start3A_20 = tpu.memref_slice %arg3[%add3A, %dma_start3A_18, %dma_start3A_19] : memref<32x79x128xi32, #tpu.memory_space<hbm>> -> memref<1x79x128xi32, #tpu.memory_space<hbm>>
      %dma_start3A_21 = tpu.memref_squeeze %dma_start3A_20 : memref<1x79x128xi32, #tpu.memory_space<hbm>> -> memref<79x128xi32, #tpu.memory_space<hbm>>
      tpu.enqueue_dma source(%dma_start3A_21 : memref<79x128xi32, #tpu.memory_space<hbm>>) target(%arg7 : memref<79x128xi32, #tpu.memory_space<vmem>>) target_semaphore(%run_scoped3A : memref<!tpu.dma_semaphore, #tpu.memory_space<semaphore_mem>>)
      %dma_wait3A = arith.constant 0 : i32
      %dma_wait3A_22 = arith.constant 0 : i32
      %dma_wait3A_23 = tpu.memref_slice %arg3[%add3A, %dma_wait3A, %dma_wait3A_22] : memref<32x79x128xi32, #tpu.memory_space<hbm>> -> memref<1x79x128xi32, #tpu.memory_space<hbm>>
      %dma_wait3A_24 = tpu.memref_squeeze %dma_wait3A_23 : memref<1x79x128xi32, #tpu.memory_space<hbm>> -> memref<79x128xi32, #tpu.memory_space<hbm>>
      %dma_wait3A_25 = arith.constant 0 : i32
      %dma_wait3A_26 = arith.constant 0 : i32
      %dma_wait3A_27 = tpu.memref_slice %arg3[%add3A, %dma_wait3A_25, %dma_wait3A_26] : memref<32x79x128xi32, #tpu.memory_space<hbm>> -> memref<1x79x128xi32, #tpu.memory_space<hbm>>
      %dma_wait3A_28 = tpu.memref_squeeze %dma_wait3A_27 : memref<1x79x128xi32, #tpu.memory_space<hbm>> -> memref<79x128xi32, #tpu.memory_space<hbm>>
      tpu.wait_dma2 semaphore(%run_scoped3A : memref<!tpu.dma_semaphore, #tpu.memory_space<semaphore_mem>>) src(%dma_wait3A_28 : memref<79x128xi32, #tpu.memory_space<hbm>>) dst(%arg7 : memref<79x128xi32, #tpu.memory_space<vmem>>)
      tpu.yield
    }) : () -> ()
    "tpu.region"() ({
      %run_scoped3A = tpu.sem_alloc : memref<!tpu.dma_semaphore, #tpu.memory_space<semaphore_mem>>
      %dma_start3A = arith.constant 0 : i32
      %dma_start3A_15 = arith.constant 0 : i32
      %dma_start3A_16 = tpu.memref_slice %arg4[%add3A, %dma_start3A, %dma_start3A_15] : memref<32x79x128xi32, #tpu.memory_space<hbm>> -> memref<1x79x128xi32, #tpu.memory_space<hbm>>
      %dma_start3A_17 = tpu.memref_squeeze %dma_start3A_16 : memref<1x79x128xi32, #tpu.memory_space<hbm>> -> memref<79x128xi32, #tpu.memory_space<hbm>>
      %dma_start3A_18 = arith.constant 0 : i32
      %dma_start3A_19 = arith.constant 0 : i32
      %dma_start3A_20 = tpu.memref_slice %arg4[%add3A, %dma_start3A_18, %dma_start3A_19] : memref<32x79x128xi32, #tpu.memory_space<hbm>> -> memref<1x79x128xi32, #tpu.memory_space<hbm>>
      %dma_start3A_21 = tpu.memref_squeeze %dma_start3A_20 : memref<1x79x128xi32, #tpu.memory_space<hbm>> -> memref<79x128xi32, #tpu.memory_space<hbm>>
      tpu.enqueue_dma source(%dma_start3A_21 : memref<79x128xi32, #tpu.memory_space<hbm>>) target(%arg8 : memref<79x128xi32, #tpu.memory_space<vmem>>) target_semaphore(%run_scoped3A : memref<!tpu.dma_semaphore, #tpu.memory_space<semaphore_mem>>)
      %dma_wait3A = arith.constant 0 : i32
      %dma_wait3A_22 = arith.constant 0 : i32
      %dma_wait3A_23 = tpu.memref_slice %arg4[%add3A, %dma_wait3A, %dma_wait3A_22] : memref<32x79x128xi32, #tpu.memory_space<hbm>> -> memref<1x79x128xi32, #tpu.memory_space<hbm>>
      %dma_wait3A_24 = tpu.memref_squeeze %dma_wait3A_23 : memref<1x79x128xi32, #tpu.memory_space<hbm>> -> memref<79x128xi32, #tpu.memory_space<hbm>>
      %dma_wait3A_25 = arith.constant 0 : i32
      %dma_wait3A_26 = arith.constant 0 : i32
      %dma_wait3A_27 = tpu.memref_slice %arg4[%add3A, %dma_wait3A_25, %dma_wait3A_26] : memref<32x79x128xi32, #tpu.memory_space<hbm>> -> memref<1x79x128xi32, #tpu.memory_space<hbm>>
      %dma_wait3A_28 = tpu.memref_squeeze %dma_wait3A_27 : memref<1x79x128xi32, #tpu.memory_space<hbm>> -> memref<79x128xi32, #tpu.memory_space<hbm>>
      tpu.wait_dma2 semaphore(%run_scoped3A : memref<!tpu.dma_semaphore, #tpu.memory_space<semaphore_mem>>) src(%dma_wait3A_28 : memref<79x128xi32, #tpu.memory_space<hbm>>) dst(%arg8 : memref<79x128xi32, #tpu.memory_space<vmem>>)
      tpu.yield
    }) : () -> ()
    %barrier3A = arith.constant 0 : index
    tpu.barrier barrier_id(%barrier3A)
    %scan3A = arith.constant 0 : i32
    %scan3A_5 = arith.constant 0 : i32
    %scan3A_6 = arith.constant 79 : i32
    %scan3A_7 = arith.addi %scan3A_5, %scan3A_6 : i32
    %scan3A_8 = arith.constant 1 : i32
    scf.for %scan3A_15 = %scan3A_5 to %scan3A_7 step %scan3A_8  : i32 {
      %dma_start3A = arith.constant 0 : i32
      %dma_start3A_16 = tpu.memref_slice %arg7[%scan3A_15, %dma_start3A] : memref<79x128xi32, #tpu.memory_space<vmem>> -> memref<1x128xi32, #tpu.memory_space<vmem>>
      %dma_start3A_17 = tpu.memref_squeeze %dma_start3A_16 : memref<1x128xi32, #tpu.memory_space<vmem>> -> memref<128xi32, #tpu.memory_space<vmem>>
      %dma_start3A_18 = arith.constant 0 : i32
      %dma_start3A_19 = arith.constant 0 : i32
      %dma_start3A_20 = tpu.memref_slice %arg2[%dma_start3A_18, %dma_start3A_19] : memref<10000x128xf32, #tpu.memory_space<hbm>> -> memref<10000x128xf32, #tpu.memory_space<hbm>>
      tpu.enqueue_indirect_dma source(%dma_start3A_20 : memref<10000x128xf32, #tpu.memory_space<hbm>>) target(%arg9 : memref<128x128xf32, #tpu.memory_space<vmem>>) offsets(%dma_start3A_17 : memref<128xi32, #tpu.memory_space<vmem>>) semaphore(%arg11 : memref<!tpu.dma_semaphore, #tpu.memory_space<semaphore_mem>>)
      %dma_wait3A = arith.constant 0 : i32
      %dma_wait3A_21 = tpu.memref_slice %arg7[%scan3A_15, %dma_wait3A] : memref<79x128xi32, #tpu.memory_space<vmem>> -> memref<1x128xi32, #tpu.memory_space<vmem>>
      %dma_wait3A_22 = tpu.memref_squeeze %dma_wait3A_21 : memref<1x128xi32, #tpu.memory_space<vmem>> -> memref<128xi32, #tpu.memory_space<vmem>>
      %dma_wait3A_23 = arith.constant 0 : i32
      %dma_wait3A_24 = arith.constant 0 : i32
      %dma_wait3A_25 = tpu.memref_slice %arg2[%dma_wait3A_23, %dma_wait3A_24] : memref<10000x128xf32, #tpu.memory_space<hbm>> -> memref<10000x128xf32, #tpu.memory_space<hbm>>
      tpu.wait_indirect_dma semaphore(%arg11 : memref<!tpu.dma_semaphore, #tpu.memory_space<semaphore_mem>>) src(%dma_wait3A_25 : memref<10000x128xf32, #tpu.memory_space<hbm>>) dst(%arg9 : memref<128x128xf32, #tpu.memory_space<vmem>>)
      "tpu.region"() ({
        %run_scoped3A = tpu.sem_alloc : memref<!tpu.dma_semaphore, #tpu.memory_space<semaphore_mem>>
        %dma_start3A_26 = arith.constant 0 : i32
        %dma_start3A_27 = tpu.memref_slice %arg8[%scan3A_15, %dma_start3A_26] : memref<79x128xi32, #tpu.memory_space<vmem>> -> memref<1x128xi32, #tpu.memory_space<vmem>>
        %dma_start3A_28 = tpu.memref_squeeze %dma_start3A_27 : memref<1x128xi32, #tpu.memory_space<vmem>> -> memref<128xi32, #tpu.memory_space<vmem>>
        %dma_start3A_29 = arith.constant 0 : i32
        %dma_start3A_30 = arith.constant 0 : i32
        %dma_start3A_31 = tpu.memref_slice %arg10[%dma_start3A_29, %dma_start3A_30] : memref<10112x128xf32, #tpu.memory_space<vmem_shared>> -> memref<10112x128xf32, #tpu.memory_space<vmem_shared>>
        tpu.enqueue_indirect_dma source(%arg9 : memref<128x128xf32, #tpu.memory_space<vmem>>) target(%dma_start3A_31 : memref<10112x128xf32, #tpu.memory_space<vmem_shared>>) offsets(%dma_start3A_28 : memref<128xi32, #tpu.memory_space<vmem>>) semaphore(%run_scoped3A : memref<!tpu.dma_semaphore, #tpu.memory_space<semaphore_mem>>) {add = true}
        %dma_wait3A_32 = arith.constant 0 : i32
        %dma_wait3A_33 = tpu.memref_slice %arg8[%scan3A_15, %dma_wait3A_32] : memref<79x128xi32, #tpu.memory_space<vmem>> -> memref<1x128xi32, #tpu.memory_space<vmem>>
        %dma_wait3A_34 = tpu.memref_squeeze %dma_wait3A_33 : memref<1x128xi32, #tpu.memory_space<vmem>> -> memref<128xi32, #tpu.memory_space<vmem>>
        %dma_wait3A_35 = arith.constant 0 : i32
        %dma_wait3A_36 = arith.constant 0 : i32
        %dma_wait3A_37 = tpu.memref_slice %arg10[%dma_wait3A_35, %dma_wait3A_36] : memref<10112x128xf32, #tpu.memory_space<vmem_shared>> -> memref<10112x128xf32, #tpu.memory_space<vmem_shared>>
        tpu.wait_indirect_dma semaphore(%run_scoped3A : memref<!tpu.dma_semaphore, #tpu.memory_space<semaphore_mem>>) src(%arg9 : memref<128x128xf32, #tpu.memory_space<vmem>>) dst(%dma_wait3A_37 : memref<10112x128xf32, #tpu.memory_space<vmem_shared>>)
        tpu.yield
      }) : () -> ()
    }
    %scan3A_9 = arith.constant 79 : i32
    %barrier3A_10 = arith.constant 0 : index
    tpu.barrier barrier_id(%barrier3A_10)
    %mul3A_11 = arith.constant 632 : i32
    %mul3A_12 = arith.muli %arg1, %mul3A_11 : i32
    %mul3A_13 = arith.constant 632 : i32
    %mul3A_14 = arith.muli %arg1, %mul3A_13 : i32
    "tpu.region"() ({
      %run_scoped3A = tpu.sem_alloc : memref<!tpu.dma_semaphore, #tpu.memory_space<semaphore_mem>>
      %dma_start3A = arith.constant 0 : i32
      %dma_start3A_15 = tpu.memref_slice %arg6[%arg0, %mul3A_14, %dma_start3A] : memref<2x10112x128xf32, #tpu.memory_space<hbm>> -> memref<1x632x128xf32, #tpu.memory_space<hbm>>
      %dma_start3A_16 = tpu.memref_squeeze %dma_start3A_15 : memref<1x632x128xf32, #tpu.memory_space<hbm>> -> memref<632x128xf32, #tpu.memory_space<hbm>>
      %dma_start3A_17 = arith.constant 0 : i32
      %dma_start3A_18 = tpu.memref_slice %arg10[%mul3A_12, %dma_start3A_17] : memref<10112x128xf32, #tpu.memory_space<vmem_shared>> -> memref<632x128xf32, #tpu.memory_space<vmem_shared>>
      tpu.enqueue_dma source(%dma_start3A_18 : memref<632x128xf32, #tpu.memory_space<vmem_shared>>) target(%dma_start3A_16 : memref<632x128xf32, #tpu.memory_space<hbm>>) target_semaphore(%run_scoped3A : memref<!tpu.dma_semaphore, #tpu.memory_space<semaphore_mem>>)
      %dma_wait3A = arith.constant 0 : i32
      %dma_wait3A_19 = tpu.memref_slice %arg6[%arg0, %mul3A_14, %dma_wait3A] : memref<2x10112x128xf32, #tpu.memory_space<hbm>> -> memref<1x632x128xf32, #tpu.memory_space<hbm>>
      %dma_wait3A_20 = tpu.memref_squeeze %dma_wait3A_19 : memref<1x632x128xf32, #tpu.memory_space<hbm>> -> memref<632x128xf32, #tpu.memory_space<hbm>>
      %dma_wait3A_21 = arith.constant 0 : i32
      %dma_wait3A_22 = tpu.memref_slice %arg10[%mul3A_12, %dma_wait3A_21] : memref<10112x128xf32, #tpu.memory_space<vmem_shared>> -> memref<632x128xf32, #tpu.memory_space<vmem_shared>>
      tpu.wait_dma2 semaphore(%run_scoped3A : memref<!tpu.dma_semaphore, #tpu.memory_space<semaphore_mem>>) src(%dma_wait3A_22 : memref<632x128xf32, #tpu.memory_space<vmem_shared>>) dst(%dma_wait3A_20 : memref<632x128xf32, #tpu.memory_space<hbm>>)
      tpu.yield
    }) : () -> ()
    return
  }
}

module attributes {stable_mosaic.version = 14 : i64} {
  func.func @_layer_body(%arg0: memref<10000x128xf32, #tpu.memory_space<vmem>>, %arg1: memref<2x10112x128xf32, #tpu.memory_space<vmem>>, %arg2: memref<128x128xf32, #tpu.memory_space<vmem>>, %arg3: memref<128xf32, #tpu.memory_space<vmem>>, %arg4: memref<128xf32, #tpu.memory_space<vmem>>, %arg5: memref<128xf32, #tpu.memory_space<vmem>>, %arg6: memref<128x128xf32, #tpu.memory_space<vmem>>, %arg7: memref<128xf32, #tpu.memory_space<vmem>>, %arg8: memref<128xf32, #tpu.memory_space<vmem>>, %arg9: memref<128xf32, #tpu.memory_space<vmem>>, %arg10: memref<10000x128xf32, #tpu.memory_space<vmem>>) attributes {dimension_semantics = [], scalar_prefetch = 0 : i64, scratch_operands = 0 : i64, tpu.core_type = #tpu.core_type<tc>} {
    %get3A = arith.constant 0 : index
    %get3A_0 = arith.constant 0 : index
    %get3A_1 = vector.load %arg0[%get3A, %get3A_0] : memref<10000x128xf32, #tpu.memory_space<vmem>>, vector<10000x128xf32>
    %get3A_2 = arith.constant 0 : index
    %get3A_3 = arith.constant 0 : index
    %get3A_4 = arith.constant 0 : index
    %get3A_5 = vector.load %arg1[%get3A_2, %get3A_3, %get3A_4] : memref<2x10112x128xf32, #tpu.memory_space<vmem>>, vector<1x10000x128xf32>
    %get3A_6 = vector.shape_cast %get3A_5 : vector<1x10000x128xf32> to vector<10000x128xf32>
    %add3A = arith.addf %get3A_1, %get3A_6 : vector<10000x128xf32>
    %get3A_7 = arith.constant 1 : index
    %get3A_8 = arith.constant 0 : index
    %get3A_9 = arith.constant 0 : index
    %get3A_10 = vector.load %arg1[%get3A_7, %get3A_8, %get3A_9] : memref<2x10112x128xf32, #tpu.memory_space<vmem>>, vector<1x10000x128xf32>
    %get3A_11 = vector.shape_cast %get3A_10 : vector<1x10000x128xf32> to vector<10000x128xf32>
    %add3A_12 = arith.addf %add3A, %get3A_11 : vector<10000x128xf32>
    %get3A_13 = arith.constant 0 : index
    %get3A_14 = arith.constant 0 : index
    %get3A_15 = vector.load %arg2[%get3A_13, %get3A_14] : memref<128x128xf32, #tpu.memory_space<vmem>>, vector<128x128xf32>
    %dot_general3A = arith.constant dense<0.000000e+00> : vector<10000x128xf32>
    %dot_general3A_16 = tpu.matmul %add3A_12, %get3A_15, %dot_general3A {dimension_numbers = #tpu.dot_dimension_numbers<[1], [0], [0], [1], [0, 0, 1, 1], [], []>, transpose_lhs_hint = false} : vector<10000x128xf32>, vector<128x128xf32>, vector<10000x128xf32> -> vector<10000x128xf32>
    %get3A_17 = arith.constant 0 : index
    %get3A_18 = vector.load %arg3[%get3A_17] : memref<128xf32, #tpu.memory_space<vmem>>, vector<128xf32>
    %broadcast_in_dim3A = vector.shape_cast %get3A_18 : vector<128xf32> to vector<1x128xf32>
    %add3A_19 = vector.broadcast %broadcast_in_dim3A : vector<1x128xf32> to vector<10000x128xf32>
    %add3A_20 = arith.addf %dot_general3A_16, %add3A_19 : vector<10000x128xf32>
    %reduce_sum3A = arith.constant dense<0.000000e+00> : vector<128xf32>
    %reduce_sum3A_21 = vector.multi_reduction <add>, %add3A_20, %reduce_sum3A [0] : vector<10000x128xf32> to vector<128xf32>
    %broadcast_in_dim3A_22 = vector.shape_cast %reduce_sum3A_21 : vector<128xf32> to vector<1x128xf32>
    %div3A = arith.constant 1.000000e+04 : f32
    %div3A_23 = vector.broadcast %div3A : f32 to vector<1x128xf32>
    %div3A_24 = arith.divf %broadcast_in_dim3A_22, %div3A_23 : vector<1x128xf32>
    %sub3A = vector.broadcast %div3A_24 : vector<1x128xf32> to vector<10000x128xf32>
    %sub3A_25 = arith.subf %add3A_20, %sub3A : vector<10000x128xf32>
    %mul3A = arith.mulf %sub3A_25, %sub3A_25 : vector<10000x128xf32>
    %reduce_sum3A_26 = arith.constant dense<0.000000e+00> : vector<128xf32>
    %reduce_sum3A_27 = vector.multi_reduction <add>, %mul3A, %reduce_sum3A_26 [0] : vector<10000x128xf32> to vector<128xf32>
    %broadcast_in_dim3A_28 = vector.shape_cast %reduce_sum3A_27 : vector<128xf32> to vector<1x128xf32>
    %div3A_29 = arith.constant 1.000000e+04 : f32
    %div3A_30 = vector.broadcast %div3A_29 : f32 to vector<1x128xf32>
    %div3A_31 = arith.divf %broadcast_in_dim3A_28, %div3A_30 : vector<1x128xf32>
    %get3A_32 = arith.constant 0 : index
    %get3A_33 = vector.load %arg4[%get3A_32] : memref<128xf32, #tpu.memory_space<vmem>>, vector<128xf32>
    %broadcast_in_dim3A_34 = vector.shape_cast %get3A_33 : vector<128xf32> to vector<1x128xf32>
    %mul3A_35 = vector.broadcast %broadcast_in_dim3A_34 : vector<1x128xf32> to vector<10000x128xf32>
    %mul3A_36 = arith.mulf %mul3A_35, %sub3A_25 : vector<10000x128xf32>
    %add3A_37 = arith.constant 9.99999974E-6 : f32
    %add3A_38 = vector.broadcast %add3A_37 : f32 to vector<1x128xf32>
    %add3A_39 = arith.addf %div3A_31, %add3A_38 : vector<1x128xf32>
    %sqrt3A = math.sqrt %add3A_39 : vector<1x128xf32>
    %div3A_40 = vector.broadcast %sqrt3A : vector<1x128xf32> to vector<10000x128xf32>
    %div3A_41 = arith.divf %mul3A_36, %div3A_40 : vector<10000x128xf32>
    %get3A_42 = arith.constant 0 : index
    %get3A_43 = vector.load %arg5[%get3A_42] : memref<128xf32, #tpu.memory_space<vmem>>, vector<128xf32>
    %broadcast_in_dim3A_44 = vector.shape_cast %get3A_43 : vector<128xf32> to vector<1x128xf32>
    %add3A_45 = vector.broadcast %broadcast_in_dim3A_44 : vector<1x128xf32> to vector<10000x128xf32>
    %add3A_46 = arith.addf %div3A_41, %add3A_45 : vector<10000x128xf32>
    %max3A = arith.constant 0.000000e+00 : f32
    %max3A_47 = vector.broadcast %max3A : f32 to vector<10000x128xf32>
    %max3A_48 = arith.maximumf %add3A_46, %max3A_47 : vector<10000x128xf32>
    %get3A_49 = arith.constant 0 : index
    %get3A_50 = arith.constant 0 : index
    %get3A_51 = vector.load %arg6[%get3A_49, %get3A_50] : memref<128x128xf32, #tpu.memory_space<vmem>>, vector<128x128xf32>
    %dot_general3A_52 = arith.constant dense<0.000000e+00> : vector<10000x128xf32>
    %dot_general3A_53 = tpu.matmul %max3A_48, %get3A_51, %dot_general3A_52 {dimension_numbers = #tpu.dot_dimension_numbers<[1], [0], [0], [1], [0, 0, 1, 1], [], []>, transpose_lhs_hint = false} : vector<10000x128xf32>, vector<128x128xf32>, vector<10000x128xf32> -> vector<10000x128xf32>
    %get3A_54 = arith.constant 0 : index
    %get3A_55 = vector.load %arg7[%get3A_54] : memref<128xf32, #tpu.memory_space<vmem>>, vector<128xf32>
    %broadcast_in_dim3A_56 = vector.shape_cast %get3A_55 : vector<128xf32> to vector<1x128xf32>
    %add3A_57 = vector.broadcast %broadcast_in_dim3A_56 : vector<1x128xf32> to vector<10000x128xf32>
    %add3A_58 = arith.addf %dot_general3A_53, %add3A_57 : vector<10000x128xf32>
    %reduce_sum3A_59 = arith.constant dense<0.000000e+00> : vector<128xf32>
    %reduce_sum3A_60 = vector.multi_reduction <add>, %add3A_58, %reduce_sum3A_59 [0] : vector<10000x128xf32> to vector<128xf32>
    %broadcast_in_dim3A_61 = vector.shape_cast %reduce_sum3A_60 : vector<128xf32> to vector<1x128xf32>
    %div3A_62 = arith.constant 1.000000e+04 : f32
    %div3A_63 = vector.broadcast %div3A_62 : f32 to vector<1x128xf32>
    %div3A_64 = arith.divf %broadcast_in_dim3A_61, %div3A_63 : vector<1x128xf32>
    %sub3A_65 = vector.broadcast %div3A_64 : vector<1x128xf32> to vector<10000x128xf32>
    %sub3A_66 = arith.subf %add3A_58, %sub3A_65 : vector<10000x128xf32>
    %mul3A_67 = arith.mulf %sub3A_66, %sub3A_66 : vector<10000x128xf32>
    %reduce_sum3A_68 = arith.constant dense<0.000000e+00> : vector<128xf32>
    %reduce_sum3A_69 = vector.multi_reduction <add>, %mul3A_67, %reduce_sum3A_68 [0] : vector<10000x128xf32> to vector<128xf32>
    %broadcast_in_dim3A_70 = vector.shape_cast %reduce_sum3A_69 : vector<128xf32> to vector<1x128xf32>
    %div3A_71 = arith.constant 1.000000e+04 : f32
    %div3A_72 = vector.broadcast %div3A_71 : f32 to vector<1x128xf32>
    %div3A_73 = arith.divf %broadcast_in_dim3A_70, %div3A_72 : vector<1x128xf32>
    %get3A_74 = arith.constant 0 : index
    %get3A_75 = vector.load %arg8[%get3A_74] : memref<128xf32, #tpu.memory_space<vmem>>, vector<128xf32>
    %broadcast_in_dim3A_76 = vector.shape_cast %get3A_75 : vector<128xf32> to vector<1x128xf32>
    %mul3A_77 = vector.broadcast %broadcast_in_dim3A_76 : vector<1x128xf32> to vector<10000x128xf32>
    %mul3A_78 = arith.mulf %mul3A_77, %sub3A_66 : vector<10000x128xf32>
    %add3A_79 = arith.constant 9.99999974E-6 : f32
    %add3A_80 = vector.broadcast %add3A_79 : f32 to vector<1x128xf32>
    %add3A_81 = arith.addf %div3A_73, %add3A_80 : vector<1x128xf32>
    %sqrt3A_82 = math.sqrt %add3A_81 : vector<1x128xf32>
    %div3A_83 = vector.broadcast %sqrt3A_82 : vector<1x128xf32> to vector<10000x128xf32>
    %div3A_84 = arith.divf %mul3A_78, %div3A_83 : vector<10000x128xf32>
    %get3A_85 = arith.constant 0 : index
    %get3A_86 = vector.load %arg9[%get3A_85] : memref<128xf32, #tpu.memory_space<vmem>>, vector<128xf32>
    %broadcast_in_dim3A_87 = vector.shape_cast %get3A_86 : vector<128xf32> to vector<1x128xf32>
    %add3A_88 = vector.broadcast %broadcast_in_dim3A_87 : vector<1x128xf32> to vector<10000x128xf32>
    %add3A_89 = arith.addf %div3A_84, %add3A_88 : vector<10000x128xf32>
    %max3A_90 = arith.constant 0.000000e+00 : f32
    %max3A_91 = vector.broadcast %max3A_90 : f32 to vector<10000x128xf32>
    %max3A_92 = arith.maximumf %add3A_89, %max3A_91 : vector<10000x128xf32>
    %swap3A = arith.constant 0 : index
    %swap3A_93 = arith.constant 0 : index
    %swap3A_94 = vector.load %arg10[%swap3A, %swap3A_93] : memref<10000x128xf32, #tpu.memory_space<vmem>>, vector<10000x128xf32>
    tpu.vector_store %arg10[%swap3A, %swap3A_93], %max3A_92 {strides = array<i32>} : memref<10000x128xf32, #tpu.memory_space<vmem>>, vector<10000x128xf32>,
    return
  }
}

module attributes {stable_mosaic.version = 14 : i64} {
  func.func @_pool_body(%arg0: memref<10000x1xi32, #tpu.memory_space<vmem>>, %arg1: memref<10000x128xf32, #tpu.memory_space<vmem>>, %arg2: memref<10000x128xf32, #tpu.memory_space<vmem>>, %arg3: memref<10000x128xf32, #tpu.memory_space<vmem>>, %arg4: memref<10000x128xf32, #tpu.memory_space<vmem>>, %arg5: memref<10000x128xf32, #tpu.memory_space<vmem>>, %arg6: memref<128x64xf32, #tpu.memory_space<vmem>>, %arg7: memref<128x64xf32, #tpu.memory_space<vmem>>, %arg8: memref<128x64xf32, #tpu.memory_space<vmem>>, %arg9: memref<128x64xf32, #tpu.memory_space<vmem>>, %arg10: memref<128x64xf32, #tpu.memory_space<vmem>>, %arg11: memref<64xf32, #tpu.memory_space<vmem>>, %arg12: memref<64xf32, #tpu.memory_space<vmem>>, %arg13: memref<64xf32, #tpu.memory_space<vmem>>, %arg14: memref<64xf32, #tpu.memory_space<vmem>>, %arg15: memref<64xf32, #tpu.memory_space<vmem>>, %arg16: memref<128x64xf32, #tpu.memory_space<vmem>>) attributes {dimension_semantics = [], scalar_prefetch = 0 : i64, scratch_operands = 0 : i64, tpu.core_type = #tpu.core_type<tc>} {
    %get3A = arith.constant 0 : index
    %get3A_0 = arith.constant 0 : index
    %get3A_1 = vector.load %arg0[%get3A, %get3A_0] : memref<10000x1xi32, #tpu.memory_space<vmem>>, vector<10000x1xi32>
    %iota3A = tpu.iota {dimensions = array<i32: 1>} : vector<10000x128xi32>
    %eq3A = vector.broadcast %get3A_1 : vector<10000x1xi32> to vector<10000x128xi32>
    %eq3A_2 = arith.cmpi eq, %eq3A, %iota3A : vector<10000x128xi32>
    %convert_element_type3A = arith.extui %eq3A_2 : vector<10000x128xi1> to vector<10000x128xi32>
    %convert_element_type3A_3 = arith.sitofp %convert_element_type3A : vector<10000x128xi32> to vector<10000x128xf32>
    %get3A_4 = arith.constant 0 : index
    %get3A_5 = arith.constant 0 : index
    %get3A_6 = vector.load %arg1[%get3A_4, %get3A_5] : memref<10000x128xf32, #tpu.memory_space<vmem>>, vector<10000x128xf32>
    %dot_general3A = arith.constant dense<0.000000e+00> : vector<128x128xf32>
    %dot_general3A_7 = tpu.matmul %convert_element_type3A_3, %get3A_6, %dot_general3A {dimension_numbers = #tpu.dot_dimension_numbers<[0], [0], [1], [1], [0, 1, 1, 1], [], []>, transpose_lhs_hint = false} : vector<10000x128xf32>, vector<10000x128xf32>, vector<128x128xf32> -> vector<128x128xf32>
    %get3A_8 = arith.constant 0 : index
    %get3A_9 = arith.constant 0 : index
    %get3A_10 = vector.load %arg6[%get3A_8, %get3A_9] : memref<128x64xf32, #tpu.memory_space<vmem>>, vector<128x64xf32>
    %dot_general3A_11 = arith.constant dense<0.000000e+00> : vector<128x64xf32>
    %dot_general3A_12 = tpu.matmul %dot_general3A_7, %get3A_10, %dot_general3A_11 {dimension_numbers = #tpu.dot_dimension_numbers<[1], [0], [0], [1], [0, 0, 1, 1], [], []>, transpose_lhs_hint = false} : vector<128x128xf32>, vector<128x64xf32>, vector<128x64xf32> -> vector<128x64xf32>
    %get3A_13 = arith.constant 0 : index
    %get3A_14 = arith.constant 0 : index
    %get3A_15 = vector.load %arg2[%get3A_13, %get3A_14] : memref<10000x128xf32, #tpu.memory_space<vmem>>, vector<10000x128xf32>
    %dot_general3A_16 = arith.constant dense<0.000000e+00> : vector<128x128xf32>
    %dot_general3A_17 = tpu.matmul %convert_element_type3A_3, %get3A_15, %dot_general3A_16 {dimension_numbers = #tpu.dot_dimension_numbers<[0], [0], [1], [1], [0, 1, 1, 1], [], []>, transpose_lhs_hint = false} : vector<10000x128xf32>, vector<10000x128xf32>, vector<128x128xf32> -> vector<128x128xf32>
    %get3A_18 = arith.constant 0 : index
    %get3A_19 = arith.constant 0 : index
    %get3A_20 = vector.load %arg7[%get3A_18, %get3A_19] : memref<128x64xf32, #tpu.memory_space<vmem>>, vector<128x64xf32>
    %dot_general3A_21 = arith.constant dense<0.000000e+00> : vector<128x64xf32>
    %dot_general3A_22 = tpu.matmul %dot_general3A_17, %get3A_20, %dot_general3A_21 {dimension_numbers = #tpu.dot_dimension_numbers<[1], [0], [0], [1], [0, 0, 1, 1], [], []>, transpose_lhs_hint = false} : vector<128x128xf32>, vector<128x64xf32>, vector<128x64xf32> -> vector<128x64xf32>
    %add3A = arith.addf %dot_general3A_12, %dot_general3A_22 : vector<128x64xf32>
    %get3A_23 = arith.constant 0 : index
    %get3A_24 = arith.constant 0 : index
    %get3A_25 = vector.load %arg3[%get3A_23, %get3A_24] : memref<10000x128xf32, #tpu.memory_space<vmem>>, vector<10000x128xf32>
    %dot_general3A_26 = arith.constant dense<0.000000e+00> : vector<128x128xf32>
    %dot_general3A_27 = tpu.matmul %convert_element_type3A_3, %get3A_25, %dot_general3A_26 {dimension_numbers = #tpu.dot_dimension_numbers<[0], [0], [1], [1], [0, 1, 1, 1], [], []>, transpose_lhs_hint = false} : vector<10000x128xf32>, vector<10000x128xf32>, vector<128x128xf32> -> vector<128x128xf32>
    %get3A_28 = arith.constant 0 : index
    %get3A_29 = arith.constant 0 : index
    %get3A_30 = vector.load %arg8[%get3A_28, %get3A_29] : memref<128x64xf32, #tpu.memory_space<vmem>>, vector<128x64xf32>
    %dot_general3A_31 = arith.constant dense<0.000000e+00> : vector<128x64xf32>
    %dot_general3A_32 = tpu.matmul %dot_general3A_27, %get3A_30, %dot_general3A_31 {dimension_numbers = #tpu.dot_dimension_numbers<[1], [0], [0], [1], [0, 0, 1, 1], [], []>, transpose_lhs_hint = false} : vector<128x128xf32>, vector<128x64xf32>, vector<128x64xf32> -> vector<128x64xf32>
    %add3A_33 = arith.addf %add3A, %dot_general3A_32 : vector<128x64xf32>
    %get3A_34 = arith.constant 0 : index
    %get3A_35 = arith.constant 0 : index
    %get3A_36 = vector.load %arg4[%get3A_34, %get3A_35] : memref<10000x128xf32, #tpu.memory_space<vmem>>, vector<10000x128xf32>
    %dot_general3A_37 = arith.constant dense<0.000000e+00> : vector<128x128xf32>
    %dot_general3A_38 = tpu.matmul %convert_element_type3A_3, %get3A_36, %dot_general3A_37 {dimension_numbers = #tpu.dot_dimension_numbers<[0], [0], [1], [1], [0, 1, 1, 1], [], []>, transpose_lhs_hint = false} : vector<10000x128xf32>, vector<10000x128xf32>, vector<128x128xf32> -> vector<128x128xf32>
    %get3A_39 = arith.constant 0 : index
    %get3A_40 = arith.constant 0 : index
    %get3A_41 = vector.load %arg9[%get3A_39, %get3A_40] : memref<128x64xf32, #tpu.memory_space<vmem>>, vector<128x64xf32>
    %dot_general3A_42 = arith.constant dense<0.000000e+00> : vector<128x64xf32>
    %dot_general3A_43 = tpu.matmul %dot_general3A_38, %get3A_41, %dot_general3A_42 {dimension_numbers = #tpu.dot_dimension_numbers<[1], [0], [0], [1], [0, 0, 1, 1], [], []>, transpose_lhs_hint = false} : vector<128x128xf32>, vector<128x64xf32>, vector<128x64xf32> -> vector<128x64xf32>
    %add3A_44 = arith.addf %add3A_33, %dot_general3A_43 : vector<128x64xf32>
    %get3A_45 = arith.constant 0 : index
    %get3A_46 = arith.constant 0 : index
    %get3A_47 = vector.load %arg5[%get3A_45, %get3A_46] : memref<10000x128xf32, #tpu.memory_space<vmem>>, vector<10000x128xf32>
    %dot_general3A_48 = arith.constant dense<0.000000e+00> : vector<128x128xf32>
    %dot_general3A_49 = tpu.matmul %convert_element_type3A_3, %get3A_47, %dot_general3A_48 {dimension_numbers = #tpu.dot_dimension_numbers<[0], [0], [1], [1], [0, 1, 1, 1], [], []>, transpose_lhs_hint = false} : vector<10000x128xf32>, vector<10000x128xf32>, vector<128x128xf32> -> vector<128x128xf32>
    %get3A_50 = arith.constant 0 : index
    %get3A_51 = arith.constant 0 : index
    %get3A_52 = vector.load %arg10[%get3A_50, %get3A_51] : memref<128x64xf32, #tpu.memory_space<vmem>>, vector<128x64xf32>
    %dot_general3A_53 = arith.constant dense<0.000000e+00> : vector<128x64xf32>
    %dot_general3A_54 = tpu.matmul %dot_general3A_49, %get3A_52, %dot_general3A_53 {dimension_numbers = #tpu.dot_dimension_numbers<[1], [0], [0], [1], [0, 0, 1, 1], [], []>, transpose_lhs_hint = false} : vector<128x128xf32>, vector<128x64xf32>, vector<128x64xf32> -> vector<128x64xf32>
    %add3A_55 = arith.addf %add3A_44, %dot_general3A_54 : vector<128x64xf32>
    %get3A_56 = arith.constant 0 : index
    %get3A_57 = vector.load %arg11[%get3A_56] : memref<64xf32, #tpu.memory_space<vmem>>, vector<64xf32>
    %get3A_58 = arith.constant 0 : index
    %get3A_59 = vector.load %arg12[%get3A_58] : memref<64xf32, #tpu.memory_space<vmem>>, vector<64xf32>
    %add3A_60 = arith.addf %get3A_57, %get3A_59 : vector<64xf32>
    %get3A_61 = arith.constant 0 : index
    %get3A_62 = vector.load %arg13[%get3A_61] : memref<64xf32, #tpu.memory_space<vmem>>, vector<64xf32>
    %add3A_63 = arith.addf %add3A_60, %get3A_62 : vector<64xf32>
    %get3A_64 = arith.constant 0 : index
    %get3A_65 = vector.load %arg14[%get3A_64] : memref<64xf32, #tpu.memory_space<vmem>>, vector<64xf32>
    %add3A_66 = arith.addf %add3A_63, %get3A_65 : vector<64xf32>
    %get3A_67 = arith.constant 0 : index
    %get3A_68 = vector.load %arg15[%get3A_67] : memref<64xf32, #tpu.memory_space<vmem>>, vector<64xf32>
    %add3A_69 = arith.addf %add3A_66, %get3A_68 : vector<64xf32>
    %broadcast_in_dim3A = vector.shape_cast %add3A_69 : vector<64xf32> to vector<1x64xf32>
    %add3A_70 = vector.broadcast %broadcast_in_dim3A : vector<1x64xf32> to vector<128x64xf32>
    %add3A_71 = arith.addf %add3A_55, %add3A_70 : vector<128x64xf32>
    %swap3A = arith.constant 0 : index
    %swap3A_72 = arith.constant 0 : index
    %swap3A_73 = vector.load %arg16[%swap3A, %swap3A_72] : memref<128x64xf32, #tpu.memory_space<vmem>>, vector<128x64xf32>
    tpu.vector_store %arg16[%swap3A, %swap3A_72], %add3A_71 {strides = array<i32>} : memref<128x64xf32, #tpu.memory_space<vmem>>, vector<128x64xf32>,
    return
  }
}

</mosaic_0001>

<sc_bundles>
// kernel: kernel.11.cloned.1.call-start
scs
__scs_entry_jumppad:
0x0: {  	(pc) =	sbr.rel $0x88, $3  }
0x1: {  	(tag) =	ssettag $0x0;
	lr =	simm.s32 $0x1  }
0x2: {  	[smem:$0x3F74] =	sst lr;
	_ =	strace $0xD0000000  }
0x3: {  	_ = 	snop  }
0x4: {  	_ = 	snop  }
0x5: {  	_ = 	snop  }
0x6: {  	_ = 	snop  }
0x7: {  	_ = 	snop  }
__scs_overlays_trampoline_lowered:
0x8: {  	[smem:$0x3F83] =	sst s0  }
0x9: {  	[smem:$0x3F84] =	sst s1  }
0xa: {  	[smem:$0x3F85] =	sst s2  }
0xb: {  	[smem:$0x3F86] =	sst s3  }
0xc: {  	[smem:$0x3F87] =	sst s4  }
0xd: {  	[smem:$0x3F88] =	sst s5  }
0xe: {  	[smem:$0x3F89] =	sst s6  }
0xf: {  	[smem:$0x3F8A] =	sst s7  }
0x10: {  	[smem:$0x3F8B] =	sst s8  }
0x11: {  	[smem:$0x3F8C] =	sst s9;
	s0 =	simm.s32 @!p0 $0x0  }
0x12: {  	s1 =	sld [smem:$0x3F72];
	s0 =	simm.s32 @p0 $0x1  }
0x13: {  	[smem:$0x3F8D] =	sst s0;
	s0 =	simm.s32 @!p1 $0x0  }
0x14: {  	s2 =	sld [smem:$0x3F71];
	s0 =	simm.s32 @p1 $0x1  }
0x15: {  	[smem:$0x3F8E] =	sst s0;
	s0 =	simm.s32 @!p2 $0x0  }
0x16: {  	s3 =	sld [smem:$0x3FDB];
	s0 =	simm.s32 @p2 $0x1  }
0x17: {  	s4 =	simm.s32 $0x1BF5;
	[smem:$0x3F90] =	sst s0  }
0x18: {  	s0 =	sld [smem:$0x3F73];
	_ =	swait.ge [sflag:s4], $0x0  }
0x19: {  	s7 =	sld [smem:$0x3F74]  }
0x1a: {  	s8 =	sadd.s32 $0xFFFFE003, lr  }
0x1b: {  	s9 =	sadd.s32 $0xFFFFFEF7, lr;
	s5 =	simm.s32 $0xFFFFFFFF;
	p2 =	slt.u32 s8, $0xFFFFF086  }
0x1c: {  	p1 =	slt.u32 s9, $0xF7A;
	s5 =	simm.s32 @!p2 $0x0  }
0x1d: {  	s5 =	simm.s32 @p1 $0x1;
	p0 =	seq.s32 s7, s2  }
0x1e: {  	s7 =	smul.u32 @!p0 $0xF7A, s2;
	p2 =	seq.s32 @!p0 s5, $0x0  }
0x1f: {  	s9 =	smul.u32 $0xF7A, s1;
	s8 =	simm.s32 @!p0 $0x1BF5;
	p2 =	por !p2, p0  }
0x20: {  	[sflag:s8] =	ssyncset.s32 @!p0 $0xFFFFF086;
	s6 =	sadd.s32 @!p0 s3, s7;
	s7 =	simm.s32 @!p0 $0x108  }
0x21: {  	s3 =	sadd.s32 s3, s9;
	s6 =	sadd.s32 @!p0 $0x88, s6;
	s7 =	simm.s32 @p2 $0x1082  }
0x22: {  	[simem:s7], [sflag:s8] =	dma.local @!p0 [hbm:s6], $0xF7A  }
0x23: {  	s9 =	sor.u32 $0xD0000000, s2;
	s6 =	simm.s32 $0x108;
	_ =	swait.ge @!p0 [sflag:s8], $0x0  }
0x24: {  	s3 =	sadd.s32 $0x88, s3;
	s6 =	simm.s32 @!p1 $0x1082;
	[sflag:s4] =	ssyncset.s32 $0xFFFFF086  }
0x25: {  	[simem:s6], [sflag:s4] =	dma.local [hbm:s3], $0xF7A  }
0x26: {  	[smem:$0x3F74] =	sst s1;
	(tag) =	ssettag s2;
	_ =	strace s9  }
0x27: {  	s1 =	sld [smem:$0x3F84]  }
0x28: {  	s2 =	sld [smem:$0x3F85]  }
0x29: {  	s4 =	sld [smem:$0x3F87]  }
0x2a: {  	p0 =	seq.s32 s5, $0x0;
	s5 =	sld [smem:$0x3F88]  }
0x2b: {  	s6 =	sld [smem:$0x3F89]  }
0x2c: {  	s7 =	sld [smem:$0x3F8A]  }
0x2d: {  	s3 =	simm.s32 $0x108;
	s8 =	sld [smem:$0x3F8B]  }
0x2e: {  	s3 =	simm.s32 @!p0 $0x1082;
	s9 =	sld [smem:$0x3F8C]  }
0x2f: {  	lr =	sadd.s32 s0, s3;
	s0 =	sld [smem:$0x3F83]  }
0x30: {  	s3 =	sld [smem:$0x3F86]  }
0x31: {  	[smem:$0x3F8F] =	sst s10  }
0x32: {  	s10 =	sld [smem:$0x3F8D];
	_ =	sdelay $0x3  }
0x33: {  	p0 =	seq.s32 s10, $0x1;
	s10 =	sld [smem:$0x3F8F];
	_ =	sdelay $0x3  }
0x34: {  	[smem:$0x3F8F] =	sst s10  }
0x35: {  	s10 =	sld [smem:$0x3F8E];
	_ =	sdelay $0x3  }
0x36: {  	p1 =	seq.s32 s10, $0x1;
	s10 =	sld [smem:$0x3F8F];
	_ =	sdelay $0x3  }
0x37: {  	[smem:$0x3F8F] =	sst s10  }
0x38: {  	s10 =	sld [smem:$0x3F90]  }
0x39: {  	_ = 	snop;
	(pc) =	sbr.ind lr, $3  }
0x3a: {  	_ = 	snop  }
0x3b: {  	_ = 	snop  }
0x3c: {  	p2 =	seq.s32 s10, $0x1;
	s10 =	sld [smem:$0x3F8F]  }
0x3d: {  	_ =	shalt  }
0x3e: {  	_ =	shalt  }
0x3f: {  	_ =	shalt  }
0x40: {  	_ =	shalt  }
0x41: {  	_ =	shalt  }
0x42: {  	_ =	shalt  }
0x43: {  	_ =	shalt  }
0x44: {  	_ =	shalt  }
0x45: {  	_ =	shalt  }
0x46: {  	_ =	shalt  }
0x47: {  	_ =	shalt  }
0x48: {  	_ =	shalt  }
0x49: {  	_ =	shalt  }
0x4a: {  	_ =	shalt  }
0x4b: {  	_ =	shalt  }
0x4c: {  	_ =	shalt  }
0x4d: {  	_ =	shalt  }
0x4e: {  	_ =	shalt  }
0x4f: {  	_ =	shalt  }
0x50: {  	_ =	shalt  }
0x51: {  	_ =	shalt  }
0x52: {  	_ =	shalt  }
0x53: {  	_ =	shalt  }
0x54: {  	_ =	shalt  }
0x55: {  	_ =	shalt  }
0x56: {  	_ =	shalt  }
0x57: {  	_ =	shalt  }
0x58: {  	_ =	shalt  }
0x59: {  	_ =	shalt  }
0x5a: {  	_ =	shalt  }
0x5b: {  	_ =	shalt  }
0x5c: {  	_ =	shalt  }
0x5d: {  	_ =	shalt  }
0x5e: {  	_ =	shalt  }
0x5f: {  	_ =	shalt  }
0x60: {  	_ =	shalt  }
0x61: {  	_ =	shalt  }
0x62: {  	_ =	shalt  }
0x63: {  	_ =	shalt  }
0x64: {  	_ =	shalt  }
0x65: {  	_ =	shalt  }
0x66: {  	_ =	shalt  }
0x67: {  	_ =	shalt  }
0x68: {  	_ =	shalt  }
0x69: {  	_ =	shalt  }
0x6a: {  	_ =	shalt  }
0x6b: {  	_ =	shalt  }
0x6c: {  	_ =	shalt  }
0x6d: {  	_ =	shalt  }
0x6e: {  	_ =	shalt  }
0x6f: {  	_ =	shalt  }
0x70: {  	_ =	shalt  }
0x71: {  	_ =	shalt  }
0x72: {  	_ =	shalt  }
0x73: {  	_ =	shalt  }
0x74: {  	_ =	shalt  }
0x75: {  	_ =	shalt  }
0x76: {  	_ =	shalt  }
0x77: {  	_ =	shalt  }
0x78: {  	_ =	shalt  }
0x79: {  	_ =	shalt  }
0x7a: {  	_ =	shalt  }
0x7b: {  	_ =	shalt  }
0x7c: {  	_ =	shalt  }
0x7d: {  	_ =	shalt  }
0x7e: {  	_ =	shalt  }
0x7f: {  	_ =	shalt  }
0x80: {  	_ =	shalt  }
0x81: {  	_ =	shalt  }
0x82: {  	_ =	shalt  }
0x83: {  	_ =	shalt  }
0x84: {  	_ =	shalt  }
0x85: {  	_ =	shalt  }
0x86: {  	_ =	shalt  }
0x87: {  	_ =	shalt  }
.Lfunc_end0:
.L_simem_size_0:
called_computation_lowered:
.L_overlay_start_0:
0x88: {  	s2 =	sld [smem:$0x3FD9]  }
0x89: {  	s3 =	sld [smem:$0x3FFE];
	_ =	sdelay $0x1  }
0x8a: {  	s1 =	srdreg.scid  }
0x8b: {  	s0 =	sand.u32 $0x1, s1  }
0x8c: {  	s17 =	sshll.u32 s0, $0xA;
	s2 =	sadd.s32 s3, s2  }
0x8d: {  	s2 =	sadd.s32 s2, s17  }
0x8e: {  	[smem:$0x3F9B] =	sst s2  }
0x8f: {  	_ = 	snop  }
0x90: {  	s2 =	sld [smem:$0x3FC9];
	(tm) =	ssettm $0x1  }
0x91: {  	s18 =	sld [smem:$0x3FFB];
	_ =	sdelay $0x3  }
0x92: {  	_ =	strace s18  }
0x93: {  	s3 =	sld [smem:$0x3FFC];
	_ =	sdelay $0x3  }
0x94: {  	_ =	strace s3  }
0x95: {  	s3 =	sld [smem:$0x3FFD];
	_ =	sdelay $0x3  }
0x96: {  	_ =	strace s3  }
0x97: {  	_ =	strace $0x8FFFFFFF  }
0x98: {  	s19 =	sld [smem:$0x3FDB];
	_ =	sdelay $0x1  }
0x99: {  	s4 =	simm.s32 $_scs_section_size  }
0x9a: {  	s5 =	simm.s32 $_size__tile_overlayer_lowered;
	s6 =	simm.s32 $_tile_overlayer_lowered  }
0x9b: {  	s22 =	simm.s32 $0x1BFF;
	s21 =	sshll.u32 s6, $0x1;
	s3 =	sadd.s32 s4, s19  }
0x9c: {  	s7 =	simm.s32 $0x0;
	s20 =	sshll.u32 s5, $0x1;
	s5 =	sadd.s32 s21, s3  }
0x9d: {  	[timem:s7], [sflag:s22] =	dma.local [hbm:s5], s20  }
0x9e: {  	_ =	swait.ge [sflag:s22], s20  }
0x9f: {  	s4 =	ssub.s32 $0x0, s20;
	[sflag:s22] =	ssyncset.done $0x0  }
0xa0: {  	[sflag:s22] =	ssyncadd.s32 s4;
	_ =	sdelay $0x1  }
0xa1: {  	s23 =	simm.s32 $0x1B8B  }
0xa2: {  	_ =	swait.ge [sflag:s23], $0x1  }
0xa3: {  	[sflag:s23] =	ssyncset.done $0x0  }
0xa4: {  	s25 =	simm.s32 $0x1B8E;
	s24 =	sld [smem:$0x3FFE];
	[sflag:s23] =	ssyncadd.s32 $0xFFFFFFFF  }
0xa5: {  	s26 =	simm.s32 $execute0_lowered;
	[smem:$0x3FD2] =	sst s25  }
0xa6: {  	s5 =	sshll.u32 s26, $0x1;
	_ =	strace $0x80000046;
	[dreg:$0x1] =	wrdreg $0xFFFFFFFF  }
0xa7: {  	s28 =	simm.s32 $_size_execute0_lowered;
	s3 =	sadd.s32 s3, s5;
	[dreg:$0x0] =	wrdreg $0x0  }
0xa8: {  	s5 =	sshll.u32 s28, $0x1;
	[dreg:$0x2] =	wrdreg s3  }
0xa9: {  	[dreg:$0x3] =	wrdreg s5  }
0xaa: {  	[dreg:$0x4] =	wrdreg $0xC0  }
0xab: {  	_ =	task [dreg:s7], $0x5FFFF  }
0xac: {  	[dreg:$0x1] =	wrdreg $0xFFFFFFFF  }
0xad: {  	[dreg:$0x0] =	wrdreg $0x60  }
0xae: {  	[dreg:$0x2] =	wrdreg s2  }
0xaf: {  	[dreg:$0x3] =	wrdreg s24  }
0xb0: {  	[dreg:$0x4] =	wrdreg $0x90000  }
0xb1: {  	[dreg:$0x5] =	wrdreg $0x9  }
0xb2: {  	_ =	task.clear_ibuf [dreg:s7], $0x6FFFF;
	_ =	strace $0x90000046  }
0xb3: {  	s29 =	simm.s32 $0x9;
	_ =	strace $0x80000048  }
0xb4: {  	_ =	swait.ge [sflag:s29], $0x1  }
0xb5: {  	[sflag:s29] =	ssyncadd.s32 $0xFFFFFFFF  }
0xb6: {  	_ =	strace $0x90000048  }
0xb7: {  	_ =	sfence  }
0xb8: {  	s30 =	sld [smem:$0x0];
	_ =	sdelay $0x2  }
0xb9: {  	s31 =	sshll.u32 s1, $0xD;
	s1 =	sshrl.u32 s1, $0x2  }
0xba: {  	s3 =	sand.u32 $0x4000, s31;
	s1 =	sadd.s32 s1, s30  }
0xbb: {  	s0 =	sor.u32 s3, s0;
	s1 =	sshll.u32 s1, $0x11  }
0xbc: {  	s0 =	sor.u32 s1, s0  }
0xbd: {  	s0 =	sadd.s32 $0x8F2B, s0  }
0xbe: {  	[sflag:s0] =	ssyncadd.remote.s32 $0x1  }
0xbf: {  	_ =	sfence.sel $0xFFFF  }
0xc0: {  	[dreg:$0x0] =	wrdreg $0xFFFFFFFF;
	(pc) =	sbr.abs _section_cstart, $3  }
0xc1: {  	[dreg:$0x1] =	wrdreg $0xFFFFFFFF  }
0xc2: {  	_ =	task.clear_ibuf [dreg:s7], $0x2FFFF;
	_ =	strace $0x9FFFFFFF  }
0xc3: {  	(tm) =	ssettm $0x7FFFFFFF  }
tec
execute0_lowered:
.L_overlay_start_1:
0x0: {  	(tag) =	ssettag $0x1  }
0x1: {  	s1 =	rddreg [dreg:$0x0]  }
0x2: {  	s6 =	rddreg [dreg:$0x1]  }
0x3: {  	s0 =	srdreg.scid;
	s3 =	rddreg [dreg:$0x2];
	s4 =	simm.s32 $0x0  }
0x4: {  	s14 =	simm.s32 $0x80;
	s5 =	sand.u32 $0x1, s0;
	s0 =	stileid.u32  }
0x5: {  	s15 =	simm.s32 $0x5000;
	s16 =	simm.s32 $0x1;
	s8 =	smul.u32 $0x13C00, s0  }
0x6: {  	s17 =	simm.s32 $0x0;
	[smem:$0x7FF] =	sst s4;
	s9 =	smul.u32 $0x13C000, s5  }
0x7: {  	s2 =	sshll.u32 s5, $0x4;
	s5 =	ssub.s32 $0x2, s5;
	s29 =	smul.u32 $0x4F000, s0  }
0x8: {  	s31 =	sshll.u32 s0, $0x6;
	s2 =	sor.u32 s0, s2;
	s11 =	sshrl.u32 s5, $0x1  }
0x9: {  	s7 =	smul.u32 $0x500, s2;
	s2 =	rddreg [dreg:$0x3];
	_ =	strace $0x80000047  }
0xa: {  	s28 =	sshrl.u32 s8, $0x3;
	s8 =	sadd.s32 s8, s9;
	s30 =	sshrl.u32 s29, $0x2  }
0xb: {  	s11 =	ssub.s32 s5, s11;
	s8 =	sshrl.u32 s8, $0x3;
	s13 =	sadd.s32 s30, s3  }
0xc: {  	s10 =	sadd.s32 s7, s6;
	s7 =	sadd.s32 s28, s6;
	s12 =	sadd.s32 s8, s6  }
0xd: {  	s6 =	sor.u32 $0x1C02, s31;
	s5 =	sadd.s32 $0x1C000, s7;
	s7 =	sadd.s32 $0x8000, s10  }
0xe: {  	s8 =	sadd.s32 $0x12000, s10;
	s9 =	sadd.s32 $0x43800, s12;
	s10 =	smax.u32 s11, $0x1  }
0xf: {  	s11 =	sshrl.u32 s13, $0x3;
	s12 =	simm.s32 $0x2;
	s13 =	simm.s32 $0x2800  }
.LBB2_1:
0x10: {  	[spmem:s11], [sflag:s6] =	dma.local [hbm:s5], $0x2780  }
0x11: {  	_ =	swait.ge [sflag:s12], $0x2780  }
0x12: {  	[sflag:s12] =	ssyncset.done $0x0  }
0x13: {  	[sflag:s12] =	ssyncadd.s32 $0xFFFFD880  }
0x14: {  	[tilespmem:s4], [sflag:$0x2] =	stream.linear.gather [hbm4b:s7+s4], $0x2780, $0x38;
	[tilespmem:$0x1CC00] =	vst v63  }
0x15: {  	_ =	swait.ge [sflag:s12], $0x2780  }
0x16: {  	[sflag:s12] =	ssyncset.done $0x0  }
0x17: {  	[sflag:s12] =	ssyncadd.s32 $0xFFFFD880  }
0x18: {  	[tilespmem:s13], [sflag:$0x2] =	stream.linear.gather [hbm4b:s8+s4], $0x2780, $0x38;
	[tilespmem:$0x1CC00] =	vst v63  }
0x19: {  	_ =	swait.ge [sflag:s12], $0x2780  }
0x1a: {  	[sflag:s12] =	ssyncset.done $0x0  }
0x1b: {  	[sflag:s12] =	ssyncadd.s32 $0xFFFFD880  }
0x1c: {  	s18 =	simm.s32 $0x0;
	[bflag:$0x0] =	sbarrier.arrive $0xFFFF  }
0x1d: {  	[tilespmem:s15], [sflag:$0x1] =	stream.indirect.gather [hbm4b:s1+s14], $0x80, s18, s14, $0xb8;
	[tilespmem:$0x1CC00] =	vst v63  }
0x1e: {  	_ =	swait.ge [sflag:s16], $0x4000  }
0x1f: {  	[sflag:s16] =	ssyncset.done $0x0  }
0x20: {  	s31 =	simm.s32 $0x2800;
	[sflag:s16] =	ssyncadd.s32 $0xFFFFC000  }
0x21: {  	[spmem:s3] =	stream.indirect.scatter.add.f32 [tilespmem:s15], [sflag:$0x2], $0x80, s31, s14, $0xb8;
	[tilespmem:$0x1CC00] =	vst v63  }
0x22: {  	_ =	swait.ge [sflag:s12], $0x4000  }
0x23: {  	s19 =	simm.s32 $0x400;
	s18 =	simm.s32 $0x200;
	[sflag:s12] =	ssyncset.done $0x0  }
.LBB2_2:
0x24: {  	s20 =	sshra.s32 s18, $0x2  }
0x25: {  	[sflag:s12] =	ssyncadd.s32 $0xFFFFC000;
	s18 =	smov.u32 s19;
	s21 =	sadd.s32 $0x200, s19  }
0x26: {  	[tilespmem:s15], [sflag:$0x1] =	stream.indirect.gather [hbm4b:s1+s14], $0x80, s20, s14, $0xb8;
	[tilespmem:$0x1CC00] =	vst v63  }
0x27: {  	p0 =	sne.s32 s19, $0x9C00;
	_ =	swait.ge [sflag:s16], $0x4000  }
.Ltmp0:
0x28: {  	[sflag:s16] =	ssyncset.done $0x0;
	(pc) =	sbr.rel @p0 .LBB2_2-.Ltmp0, $4  }
0x29: {  	s19 =	sadd.s32 $0x2800, s20;
	[sflag:s16] =	ssyncadd.s32 $0xFFFFC000  }
0x2a: {  	[spmem:s3] =	stream.indirect.scatter.add.f32 [tilespmem:s15], [sflag:$0x2], $0x80, s19, s14, $0xb8;
	[tilespmem:$0x1CC00] =	vst v63  }
0x2b: {  	_ =	swait.ge [sflag:s12], $0x4000  }
0x2c: {  	s19 =	smov.u32 s21;
	[sflag:s12] =	ssyncset.done $0x0  }
0x2d: {  	s18 =	sshra.s32 s18, $0x2;
	[sflag:s12] =	ssyncadd.s32 $0xFFFFC000  }
0x2e: {  	[tilespmem:s15], [sflag:$0x1] =	stream.indirect.gather [hbm4b:s1+s14], $0x80, s18, s14, $0xb8;
	[tilespmem:$0x1CC00] =	vst v63  }
0x2f: {  	_ =	swait.ge [sflag:s16], $0x4000  }
0x30: {  	[sflag:s16] =	ssyncset.done $0x0  }
0x31: {  	s18 =	sadd.s32 $0x2800, s18;
	[sflag:s16] =	ssyncadd.s32 $0xFFFFC000  }
0x32: {  	[spmem:s3] =	stream.indirect.scatter.add.f32 [tilespmem:s15], [sflag:$0x2], $0x80, s18, s14, $0xb8;
	[tilespmem:$0x1CC00] =	vst v63  }
0x33: {  	_ =	swait.ge [sflag:s12], $0x4000  }
0x34: {  	s17 =	sadd.s32 $0x1, s17;
	[sflag:s12] =	ssyncset.done $0x0  }
0x35: {  	p0 =	sne.s32 s17, s10;
	[sflag:s12] =	ssyncadd.s32 $0xFFFFC000  }
.Ltmp1:
0x36: {  	[bflag:$0x0] =	sbarrier.arrive $0xFFFF;
	(pc) =	sbr.rel @p0 .LBB2_1-.Ltmp1, $4  }
0x37: {  	[hbm:s9], [sflag:s6] =	dma.local [spmem:s11], $0x2780  }
0x38: {  	_ =	swait.ge [sflag:s12], $0x2780  }
0x39: {  	[sflag:s12] =	ssyncset.done $0x0  }
0x3a: {  	[sflag:s12] =	ssyncadd.s32 $0xFFFFD880  }
0x3b: {  	_ =	sfence.sel $0x180000  }
0x3c: {  	[bflag:$0x0] =	sbarrier.arrive $0xFFFF  }
0x3d: {  	p0 =	sne.s32 s0, $0x0;
	_ =	strace $0x90000047  }
0x3e: {  	s0 =	sadd.s32 @!p0 $0x100000, s2;
	[bflag:$0x2] =	sbarrier.arrive $0xFFFF  }
0x3f: {  	[sflag:s0] =	ssyncadd.tile.s32 @!p0 $0x1;
	_ =	shalt  }
.Lfunc_end2:
_tile_overlayer_lowered:
.L_overlay_start_2:
0x40: {  	(tag) =	ssettag $0x2  }
0x41: {  	s0 =	rddreg [dreg:$0x0];
	s2 =	stileid.u32  }
0x42: {  	s1 =	rddreg [dreg:$0x1];
	p0 =	sne.s32 s2, $0x0  }
0x43: {  	s3 =	rddreg [dreg:$0x2];
	[bflag:$0x3] =	sbarrier.arrive $0xFFFF;
	s2 =	simm.s32 @!p0 $0x1C02  }
0x44: {  	[timem:s3], [sflag:s2] =	dma.local @!p0 [hbm:s0], s1  }
0x45: {  	s0 =	simm.s32 @!p0 $0x2  }
0x46: {  	_ =	swait.ge @!p0 [sflag:s0], s1  }
0x47: {  	s1 =	ssub.s32 @!p0 $0x0, s1;
	[sflag:s0] =	ssyncset.done @!p0 $0x0  }
0x48: {  	[sflag:s0] =	ssyncadd.s32 @!p0 s1  }
0x49: {  	[bflag:$0x3] =	sbarrier.arrive $0xFFFF  }
0x4a: {  	_ =	shalt  }

// kernel: kernel.14.cloned.1.call-start
scs
__scs_entry_jumppad:
0x0: {  	(pc) =	sbr.rel $0x88, $3  }
0x1: {  	(tag) =	ssettag $0x0;
	lr =	simm.s32 $0x1  }
0x2: {  	[smem:$0x3F74] =	sst lr;
	_ =	strace $0xD0000000  }
0x3: {  	_ = 	snop  }
0x4: {  	_ = 	snop  }
0x5: {  	_ = 	snop  }
0x6: {  	_ = 	snop  }
0x7: {  	_ = 	snop  }
__scs_overlays_trampoline_lowered:
0x8: {  	[smem:$0x3F83] =	sst s0  }
0x9: {  	[smem:$0x3F84] =	sst s1  }
0xa: {  	[smem:$0x3F85] =	sst s2  }
0xb: {  	[smem:$0x3F86] =	sst s3  }
0xc: {  	[smem:$0x3F87] =	sst s4  }
0xd: {  	[smem:$0x3F88] =	sst s5  }
0xe: {  	[smem:$0x3F89] =	sst s6  }
0xf: {  	[smem:$0x3F8A] =	sst s7  }
0x10: {  	[smem:$0x3F8B] =	sst s8  }
0x11: {  	[smem:$0x3F8C] =	sst s9;
	s0 =	simm.s32 @!p0 $0x0  }
0x12: {  	s1 =	sld [smem:$0x3F72];
	s0 =	simm.s32 @p0 $0x1  }
0x13: {  	[smem:$0x3F8D] =	sst s0;
	s0 =	simm.s32 @!p1 $0x0  }
0x14: {  	s2 =	sld [smem:$0x3F71];
	s0 =	simm.s32 @p1 $0x1  }
0x15: {  	[smem:$0x3F8E] =	sst s0;
	s0 =	simm.s32 @!p2 $0x0  }
0x16: {  	s3 =	sld [smem:$0x3FDB];
	s0 =	simm.s32 @p2 $0x1  }
0x17: {  	s4 =	simm.s32 $0x1BF5;
	[smem:$0x3F90] =	sst s0  }
0x18: {  	s0 =	sld [smem:$0x3F73];
	_ =	swait.ge [sflag:s4], $0x0  }
0x19: {  	s7 =	sld [smem:$0x3F74]  }
0x1a: {  	s8 =	sadd.s32 $0xFFFFE003, lr  }
0x1b: {  	s9 =	sadd.s32 $0xFFFFFEF7, lr;
	s5 =	simm.s32 $0xFFFFFFFF;
	p2 =	slt.u32 s8, $0xFFFFF086  }
0x1c: {  	p1 =	slt.u32 s9, $0xF7A;
	s5 =	simm.s32 @!p2 $0x0  }
0x1d: {  	s5 =	simm.s32 @p1 $0x1;
	p0 =	seq.s32 s7, s2  }
0x1e: {  	s7 =	smul.u32 @!p0 $0xF7A, s2;
	p2 =	seq.s32 @!p0 s5, $0x0  }
0x1f: {  	s9 =	smul.u32 $0xF7A, s1;
	s8 =	simm.s32 @!p0 $0x1BF5;
	p2 =	por !p2, p0  }
0x20: {  	[sflag:s8] =	ssyncset.s32 @!p0 $0xFFFFF086;
	s6 =	sadd.s32 @!p0 s3, s7;
	s7 =	simm.s32 @!p0 $0x108  }
0x21: {  	s3 =	sadd.s32 s3, s9;
	s6 =	sadd.s32 @!p0 $0x88, s6;
	s7 =	simm.s32 @p2 $0x1082  }
0x22: {  	[simem:s7], [sflag:s8] =	dma.local @!p0 [hbm:s6], $0xF7A  }
0x23: {  	s9 =	sor.u32 $0xD0000000, s2;
	s6 =	simm.s32 $0x108;
	_ =	swait.ge @!p0 [sflag:s8], $0x0  }
0x24: {  	s3 =	sadd.s32 $0x88, s3;
	s6 =	simm.s32 @!p1 $0x1082;
	[sflag:s4] =	ssyncset.s32 $0xFFFFF086  }
0x25: {  	[simem:s6], [sflag:s4] =	dma.local [hbm:s3], $0xF7A  }
0x26: {  	[smem:$0x3F74] =	sst s1;
	(tag) =	ssettag s2;
	_ =	strace s9  }
0x27: {  	s1 =	sld [smem:$0x3F84]  }
0x28: {  	s2 =	sld [smem:$0x3F85]  }
0x29: {  	s4 =	sld [smem:$0x3F87]  }
0x2a: {  	p0 =	seq.s32 s5, $0x0;
	s5 =	sld [smem:$0x3F88]  }
0x2b: {  	s6 =	sld [smem:$0x3F89]  }
0x2c: {  	s7 =	sld [smem:$0x3F8A]  }
0x2d: {  	s3 =	simm.s32 $0x108;
	s8 =	sld [smem:$0x3F8B]  }
0x2e: {  	s3 =	simm.s32 @!p0 $0x1082;
	s9 =	sld [smem:$0x3F8C]  }
0x2f: {  	lr =	sadd.s32 s0, s3;
	s0 =	sld [smem:$0x3F83]  }
0x30: {  	s3 =	sld [smem:$0x3F86]  }
0x31: {  	[smem:$0x3F8F] =	sst s10  }
0x32: {  	s10 =	sld [smem:$0x3F8D];
	_ =	sdelay $0x3  }
0x33: {  	p0 =	seq.s32 s10, $0x1;
	s10 =	sld [smem:$0x3F8F];
	_ =	sdelay $0x3  }
0x34: {  	[smem:$0x3F8F] =	sst s10  }
0x35: {  	s10 =	sld [smem:$0x3F8E];
	_ =	sdelay $0x3  }
0x36: {  	p1 =	seq.s32 s10, $0x1;
	s10 =	sld [smem:$0x3F8F];
	_ =	sdelay $0x3  }
0x37: {  	[smem:$0x3F8F] =	sst s10  }
0x38: {  	s10 =	sld [smem:$0x3F90]  }
0x39: {  	_ = 	snop;
	(pc) =	sbr.ind lr, $3  }
0x3a: {  	_ = 	snop  }
0x3b: {  	_ = 	snop  }
0x3c: {  	p2 =	seq.s32 s10, $0x1;
	s10 =	sld [smem:$0x3F8F]  }
0x3d: {  	_ =	shalt  }
0x3e: {  	_ =	shalt  }
0x3f: {  	_ =	shalt  }
0x40: {  	_ =	shalt  }
0x41: {  	_ =	shalt  }
0x42: {  	_ =	shalt  }
0x43: {  	_ =	shalt  }
0x44: {  	_ =	shalt  }
0x45: {  	_ =	shalt  }
0x46: {  	_ =	shalt  }
0x47: {  	_ =	shalt  }
0x48: {  	_ =	shalt  }
0x49: {  	_ =	shalt  }
0x4a: {  	_ =	shalt  }
0x4b: {  	_ =	shalt  }
0x4c: {  	_ =	shalt  }
0x4d: {  	_ =	shalt  }
0x4e: {  	_ =	shalt  }
0x4f: {  	_ =	shalt  }
0x50: {  	_ =	shalt  }
0x51: {  	_ =	shalt  }
0x52: {  	_ =	shalt  }
0x53: {  	_ =	shalt  }
0x54: {  	_ =	shalt  }
0x55: {  	_ =	shalt  }
0x56: {  	_ =	shalt  }
0x57: {  	_ =	shalt  }
0x58: {  	_ =	shalt  }
0x59: {  	_ =	shalt  }
0x5a: {  	_ =	shalt  }
0x5b: {  	_ =	shalt  }
0x5c: {  	_ =	shalt  }
0x5d: {  	_ =	shalt  }
0x5e: {  	_ =	shalt  }
0x5f: {  	_ =	shalt  }
0x60: {  	_ =	shalt  }
0x61: {  	_ =	shalt  }
0x62: {  	_ =	shalt  }
0x63: {  	_ =	shalt  }
0x64: {  	_ =	shalt  }
0x65: {  	_ =	shalt  }
0x66: {  	_ =	shalt  }
0x67: {  	_ =	shalt  }
0x68: {  	_ =	shalt  }
0x69: {  	_ =	shalt  }
0x6a: {  	_ =	shalt  }
0x6b: {  	_ =	shalt  }
0x6c: {  	_ =	shalt  }
0x6d: {  	_ =	shalt  }
0x6e: {  	_ =	shalt  }
0x6f: {  	_ =	shalt  }
0x70: {  	_ =	shalt  }
0x71: {  	_ =	shalt  }
0x72: {  	_ =	shalt  }
0x73: {  	_ =	shalt  }
0x74: {  	_ =	shalt  }
0x75: {  	_ =	shalt  }
0x76: {  	_ =	shalt  }
0x77: {  	_ =	shalt  }
0x78: {  	_ =	shalt  }
0x79: {  	_ =	shalt  }
0x7a: {  	_ =	shalt  }
0x7b: {  	_ =	shalt  }
0x7c: {  	_ =	shalt  }
0x7d: {  	_ =	shalt  }
0x7e: {  	_ =	shalt  }
0x7f: {  	_ =	shalt  }
0x80: {  	_ =	shalt  }
0x81: {  	_ =	shalt  }
0x82: {  	_ =	shalt  }
0x83: {  	_ =	shalt  }
0x84: {  	_ =	shalt  }
0x85: {  	_ =	shalt  }
0x86: {  	_ =	shalt  }
0x87: {  	_ =	shalt  }
.Lfunc_end0:
.L_simem_size_0:
called_computation.1_lowered:
.L_overlay_start_0:
0x88: {  	s2 =	sld [smem:$0x3FD9]  }
0x89: {  	s3 =	sld [smem:$0x3FFE];
	_ =	sdelay $0x1  }
0x8a: {  	s1 =	srdreg.scid  }
0x8b: {  	s0 =	sand.u32 $0x1, s1  }
0x8c: {  	s16 =	sshll.u32 s0, $0xA;
	s2 =	sadd.s32 s3, s2  }
0x8d: {  	s2 =	sadd.s32 s2, s16  }
0x8e: {  	[smem:$0x3F9B] =	sst s2  }
0x8f: {  	_ = 	snop  }
0x90: {  	(tm) =	ssettm $0x1  }
0x91: {  	s17 =	sld [smem:$0x3FFB];
	_ =	sdelay $0x3  }
0x92: {  	_ =	strace s17  }
0x93: {  	s2 =	sld [smem:$0x3FFC];
	_ =	sdelay $0x3  }
0x94: {  	_ =	strace s2  }
0x95: {  	s2 =	sld [smem:$0x3FFD];
	_ =	sdelay $0x3  }
0x96: {  	_ =	strace s2  }
0x97: {  	_ =	strace $0x8FFFFFFF  }
0x98: {  	s18 =	sld [smem:$0x3FDB];
	_ =	sdelay $0x1  }
0x99: {  	s19 =	simm.s32 $_scs_section_size  }
0x9a: {  	s4 =	simm.s32 $_size__tile_overlayer_lowered;
	s5 =	simm.s32 $_tile_overlayer_lowered  }
0x9b: {  	s22 =	simm.s32 $0x1BFF;
	s21 =	sshll.u32 s5, $0x1;
	s2 =	sadd.s32 s19, s18  }
0x9c: {  	s6 =	simm.s32 $0x0;
	s20 =	sshll.u32 s4, $0x1;
	s4 =	sadd.s32 s21, s2  }
0x9d: {  	[timem:s6], [sflag:s22] =	dma.local [hbm:s4], s20  }
0x9e: {  	_ =	swait.ge [sflag:s22], s20  }
0x9f: {  	s3 =	ssub.s32 $0x0, s20;
	[sflag:s22] =	ssyncset.done $0x0  }
0xa0: {  	[sflag:s22] =	ssyncadd.s32 s3;
	_ =	sdelay $0x1  }
0xa1: {  	s23 =	simm.s32 $0x1B8B  }
0xa2: {  	_ =	swait.ge [sflag:s23], $0x1  }
0xa3: {  	[sflag:s23] =	ssyncset.done $0x0  }
0xa4: {  	s25 =	simm.s32 $0x1B8E;
	s24 =	sld [smem:$0x3FFE];
	[sflag:s23] =	ssyncadd.s32 $0xFFFFFFFF  }
0xa5: {  	s26 =	simm.s32 $execute0_lowered;
	[smem:$0x3FD2] =	sst s25  }
0xa6: {  	s4 =	sshll.u32 s26, $0x1;
	_ =	strace $0x80000049;
	[dreg:$0x1] =	wrdreg $0xFFFFFFFF  }
0xa7: {  	s28 =	simm.s32 $_size_execute0_lowered;
	s2 =	sadd.s32 s2, s4;
	[dreg:$0x0] =	wrdreg $0x0  }
0xa8: {  	s4 =	sshll.u32 s28, $0x1;
	[dreg:$0x2] =	wrdreg s2  }
0xa9: {  	[dreg:$0x3] =	wrdreg s4  }
0xaa: {  	[dreg:$0x4] =	wrdreg $0xC0  }
0xab: {  	_ =	task [dreg:s6], $0x5FFFF  }
0xac: {  	[dreg:$0x1] =	wrdreg $0xFFFFFFFF  }
0xad: {  	[dreg:$0x0] =	wrdreg $0x60  }
0xae: {  	[dreg:$0x2] =	wrdreg s24  }
0xaf: {  	[dreg:$0x3] =	wrdreg $0x90000  }
0xb0: {  	[dreg:$0x4] =	wrdreg $0x9  }
0xb1: {  	_ =	task.clear_ibuf [dreg:s6], $0x5FFFF;
	_ =	strace $0x90000049  }
0xb2: {  	s29 =	simm.s32 $0x9;
	_ =	strace $0x8000004B  }
0xb3: {  	_ =	swait.ge [sflag:s29], $0x1  }
0xb4: {  	[sflag:s29] =	ssyncadd.s32 $0xFFFFFFFF  }
0xb5: {  	_ =	strace $0x9000004B  }
0xb6: {  	_ =	sfence  }
0xb7: {  	s30 =	sld [smem:$0x0];
	_ =	sdelay $0x2  }
0xb8: {  	s31 =	sshll.u32 s1, $0xD;
	s1 =	sshrl.u32 s1, $0x2  }
0xb9: {  	s3 =	sand.u32 $0x4000, s31;
	s1 =	sadd.s32 s1, s30  }
0xba: {  	s0 =	sor.u32 s3, s0;
	s1 =	sshll.u32 s1, $0x11  }
0xbb: {  	s0 =	sor.u32 s1, s0  }
0xbc: {  	s0 =	sadd.s32 $0x8F2B, s0  }
0xbd: {  	[sflag:s0] =	ssyncadd.remote.s32 $0x1  }
0xbe: {  	_ =	sfence.sel $0xFFFF  }
0xbf: {  	[dreg:$0x0] =	wrdreg $0xFFFFFFFF;
	(pc) =	sbr.abs _section_cstart, $3  }
0xc0: {  	[dreg:$0x1] =	wrdreg $0xFFFFFFFF  }
0xc1: {  	_ =	task.clear_ibuf [dreg:s6], $0x2FFFF;
	_ =	strace $0x9FFFFFFF  }
0xc2: {  	(tm) =	ssettm $0x7FFFFFFF  }
0xc3: {  	_ =	shalt  }
tec
execute0_lowered:
.L_overlay_start_1:
0x0: {  	(tag) =	ssettag $0x1  }
0x1: {  	s0 =	srdreg.scid;
	s6 =	rddreg [dreg:$0x0]  }
0x2: {  	s2 =	rddreg [dreg:$0x1];
	s3 =	simm.s32 $0x0;
	s14 =	simm.s32 $0x80  }
0x3: {  	s15 =	simm.s32 $0x5000;
	s5 =	sand.u32 $0x1, s0;
	s0 =	stileid.u32  }
0x4: {  	s16 =	simm.s32 $0x1;
	s17 =	simm.s32 $0x0;
	s8 =	smul.u32 $0x13C00, s0  }
0x5: {  	[smem:$0x7FF] =	sst s3;
	s1 =	sshll.u32 s5, $0x4;
	s9 =	smul.u32 $0x13C000, s5  }
0x6: {  	s5 =	ssub.s32 $0x2, s5;
	s29 =	smul.u32 $0x4F000, s0;
	s31 =	sshll.u32 s0, $0x6  }
0x7: {  	s4 =	sor.u32 s0, s1;
	s1 =	rddreg [dreg:$0x2];
	_ =	strace $0x8000004A  }
0x8: {  	s11 =	sshrl.u32 s5, $0x1;
	s7 =	smul.u32 $0x500, s4;
	s4 =	sadd.s32 $0x43800, s6  }
0x9: {  	s28 =	sshrl.u32 s8, $0x3;
	s8 =	sadd.s32 s8, s9;
	s30 =	sshrl.u32 s29, $0x2  }
0xa: {  	s11 =	ssub.s32 s5, s11;
	s8 =	sshrl.u32 s8, $0x3;
	s13 =	sadd.s32 s30, s2  }
0xb: {  	s10 =	sadd.s32 s7, s6;
	s7 =	sadd.s32 s28, s6;
	s12 =	sadd.s32 s8, s6  }
0xc: {  	s6 =	sor.u32 $0x1C02, s31;
	s5 =	sadd.s32 $0x1C000, s7;
	s7 =	sadd.s32 $0x8000, s10  }
0xd: {  	s8 =	sadd.s32 $0x12000, s10;
	s9 =	sadd.s32 $0x6AA00, s12;
	s10 =	smax.u32 s11, $0x1  }
0xe: {  	s11 =	sshrl.u32 s13, $0x3;
	s12 =	simm.s32 $0x2;
	s13 =	simm.s32 $0x2800  }
.LBB2_1:
0xf: {  	[spmem:s11], [sflag:s6] =	dma.local [hbm:s5], $0x2780  }
0x10: {  	_ =	swait.ge [sflag:s12], $0x2780  }
0x11: {  	[sflag:s12] =	ssyncset.done $0x0  }
0x12: {  	[sflag:s12] =	ssyncadd.s32 $0xFFFFD880  }
0x13: {  	[tilespmem:s3], [sflag:$0x2] =	stream.linear.gather [hbm4b:s7+s3], $0x2780, $0x38;
	[tilespmem:$0x1CC00] =	vst v63  }
0x14: {  	_ =	swait.ge [sflag:s12], $0x2780  }
0x15: {  	[sflag:s12] =	ssyncset.done $0x0  }
0x16: {  	[sflag:s12] =	ssyncadd.s32 $0xFFFFD880  }
0x17: {  	[tilespmem:s13], [sflag:$0x2] =	stream.linear.gather [hbm4b:s8+s3], $0x2780, $0x38;
	[tilespmem:$0x1CC00] =	vst v63  }
0x18: {  	_ =	swait.ge [sflag:s12], $0x2780  }
0x19: {  	[sflag:s12] =	ssyncset.done $0x0  }
0x1a: {  	[sflag:s12] =	ssyncadd.s32 $0xFFFFD880  }
0x1b: {  	s18 =	simm.s32 $0x0;
	[bflag:$0x0] =	sbarrier.arrive $0xFFFF  }
0x1c: {  	[tilespmem:s15], [sflag:$0x1] =	stream.indirect.gather [hbm4b:s4+s14], $0x80, s18, s14, $0xb8;
	[tilespmem:$0x1CC00] =	vst v63  }
0x1d: {  	_ =	swait.ge [sflag:s16], $0x4000  }
0x1e: {  	[sflag:s16] =	ssyncset.done $0x0  }
0x1f: {  	s31 =	simm.s32 $0x2800;
	[sflag:s16] =	ssyncadd.s32 $0xFFFFC000  }
0x20: {  	[spmem:s2] =	stream.indirect.scatter.add.f32 [tilespmem:s15], [sflag:$0x2], $0x80, s31, s14, $0xb8;
	[tilespmem:$0x1CC00] =	vst v63  }
0x21: {  	_ =	swait.ge [sflag:s12], $0x4000  }
0x22: {  	s19 =	simm.s32 $0x400;
	s18 =	simm.s32 $0x200;
	[sflag:s12] =	ssyncset.done $0x0  }
.LBB2_2:
0x23: {  	s20 =	sshra.s32 s18, $0x2  }
0x24: {  	[sflag:s12] =	ssyncadd.s32 $0xFFFFC000;
	s18 =	smov.u32 s19;
	s21 =	sadd.s32 $0x200, s19  }
0x25: {  	[tilespmem:s15], [sflag:$0x1] =	stream.indirect.gather [hbm4b:s4+s14], $0x80, s20, s14, $0xb8;
	[tilespmem:$0x1CC00] =	vst v63  }
0x26: {  	p0 =	sne.s32 s19, $0x9C00;
	_ =	swait.ge [sflag:s16], $0x4000  }
.Ltmp0:
0x27: {  	[sflag:s16] =	ssyncset.done $0x0;
	(pc) =	sbr.rel @p0 .LBB2_2-.Ltmp0, $4  }
0x28: {  	s19 =	sadd.s32 $0x2800, s20;
	[sflag:s16] =	ssyncadd.s32 $0xFFFFC000  }
0x29: {  	[spmem:s2] =	stream.indirect.scatter.add.f32 [tilespmem:s15], [sflag:$0x2], $0x80, s19, s14, $0xb8;
	[tilespmem:$0x1CC00] =	vst v63  }
0x2a: {  	_ =	swait.ge [sflag:s12], $0x4000  }
0x2b: {  	s19 =	smov.u32 s21;
	[sflag:s12] =	ssyncset.done $0x0  }
0x2c: {  	s18 =	sshra.s32 s18, $0x2;
	[sflag:s12] =	ssyncadd.s32 $0xFFFFC000  }
0x2d: {  	[tilespmem:s15], [sflag:$0x1] =	stream.indirect.gather [hbm4b:s4+s14], $0x80, s18, s14, $0xb8;
	[tilespmem:$0x1CC00] =	vst v63  }
0x2e: {  	_ =	swait.ge [sflag:s16], $0x4000  }
0x2f: {  	[sflag:s16] =	ssyncset.done $0x0  }
0x30: {  	s18 =	sadd.s32 $0x2800, s18;
	[sflag:s16] =	ssyncadd.s32 $0xFFFFC000  }
0x31: {  	[spmem:s2] =	stream.indirect.scatter.add.f32 [tilespmem:s15], [sflag:$0x2], $0x80, s18, s14, $0xb8;
	[tilespmem:$0x1CC00] =	vst v63  }
0x32: {  	_ =	swait.ge [sflag:s12], $0x4000  }
0x33: {  	s17 =	sadd.s32 $0x1, s17;
	[sflag:s12] =	ssyncset.done $0x0  }
0x34: {  	p0 =	sne.s32 s17, s10;
	[sflag:s12] =	ssyncadd.s32 $0xFFFFC000  }
.Ltmp1:
0x35: {  	[bflag:$0x0] =	sbarrier.arrive $0xFFFF;
	(pc) =	sbr.rel @p0 .LBB2_1-.Ltmp1, $4  }
0x36: {  	[hbm:s9], [sflag:s6] =	dma.local [spmem:s11], $0x2780  }
0x37: {  	_ =	swait.ge [sflag:s12], $0x2780  }
0x38: {  	[sflag:s12] =	ssyncset.done $0x0  }
0x39: {  	[sflag:s12] =	ssyncadd.s32 $0xFFFFD880  }
0x3a: {  	_ =	sfence.sel $0x180000  }
0x3b: {  	[bflag:$0x0] =	sbarrier.arrive $0xFFFF  }
0x3c: {  	p0 =	sne.s32 s0, $0x0;
	_ =	strace $0x9000004A  }
0x3d: {  	s0 =	sadd.s32 @!p0 $0x100000, s1;
	[bflag:$0x2] =	sbarrier.arrive $0xFFFF  }
0x3e: {  	[sflag:s0] =	ssyncadd.tile.s32 @!p0 $0x1;
	_ =	shalt  }
.Lfunc_end2:
_tile_overlayer_lowered:
.L_overlay_start_2:
0x3f: {  	(tag) =	ssettag $0x2  }
0x40: {  	s0 =	rddreg [dreg:$0x0];
	s2 =	stileid.u32  }
0x41: {  	s1 =	rddreg [dreg:$0x1];
	p0 =	sne.s32 s2, $0x0  }
0x42: {  	s3 =	rddreg [dreg:$0x2];
	[bflag:$0x3] =	sbarrier.arrive $0xFFFF;
	s2 =	simm.s32 @!p0 $0x1C02  }
0x43: {  	[timem:s3], [sflag:s2] =	dma.local @!p0 [hbm:s0], s1  }
0x44: {  	s0 =	simm.s32 @!p0 $0x2  }
0x45: {  	_ =	swait.ge @!p0 [sflag:s0], s1  }
0x46: {  	s1 =	ssub.s32 @!p0 $0x0, s1;
	[sflag:s0] =	ssyncset.done @!p0 $0x0  }
0x47: {  	[sflag:s0] =	ssyncadd.s32 @!p0 s1  }
0x48: {  	[bflag:$0x3] =	sbarrier.arrive $0xFFFF  }
0x49: {  	_ =	shalt  }

// kernel: kernel.17.cloned.1.call-start
scs
__scs_entry_jumppad:
0x0: {  	(pc) =	sbr.rel $0x88, $3  }
0x1: {  	(tag) =	ssettag $0x0;
	lr =	simm.s32 $0x1  }
0x2: {  	[smem:$0x3F74] =	sst lr;
	_ =	strace $0xD0000000  }
0x3: {  	_ = 	snop  }
0x4: {  	_ = 	snop  }
0x5: {  	_ = 	snop  }
0x6: {  	_ = 	snop  }
0x7: {  	_ = 	snop  }
__scs_overlays_trampoline_lowered:
0x8: {  	[smem:$0x3F83] =	sst s0  }
0x9: {  	[smem:$0x3F84] =	sst s1  }
0xa: {  	[smem:$0x3F85] =	sst s2  }
0xb: {  	[smem:$0x3F86] =	sst s3  }
0xc: {  	[smem:$0x3F87] =	sst s4  }
0xd: {  	[smem:$0x3F88] =	sst s5  }
0xe: {  	[smem:$0x3F89] =	sst s6  }
0xf: {  	[smem:$0x3F8A] =	sst s7  }
0x10: {  	[smem:$0x3F8B] =	sst s8  }
0x11: {  	[smem:$0x3F8C] =	sst s9;
	s0 =	simm.s32 @!p0 $0x0  }
0x12: {  	s1 =	sld [smem:$0x3F72];
	s0 =	simm.s32 @p0 $0x1  }
0x13: {  	[smem:$0x3F8D] =	sst s0;
	s0 =	simm.s32 @!p1 $0x0  }
0x14: {  	s2 =	sld [smem:$0x3F71];
	s0 =	simm.s32 @p1 $0x1  }
0x15: {  	[smem:$0x3F8E] =	sst s0;
	s0 =	simm.s32 @!p2 $0x0  }
0x16: {  	s3 =	sld [smem:$0x3FDB];
	s0 =	simm.s32 @p2 $0x1  }
0x17: {  	s4 =	simm.s32 $0x1BF5;
	[smem:$0x3F90] =	sst s0  }
0x18: {  	s0 =	sld [smem:$0x3F73];
	_ =	swait.ge [sflag:s4], $0x0  }
0x19: {  	s7 =	sld [smem:$0x3F74]  }
0x1a: {  	s8 =	sadd.s32 $0xFFFFE003, lr  }
0x1b: {  	s9 =	sadd.s32 $0xFFFFFEF7, lr;
	s5 =	simm.s32 $0xFFFFFFFF;
	p2 =	slt.u32 s8, $0xFFFFF086  }
0x1c: {  	p1 =	slt.u32 s9, $0xF7A;
	s5 =	simm.s32 @!p2 $0x0  }
0x1d: {  	s5 =	simm.s32 @p1 $0x1;
	p0 =	seq.s32 s7, s2  }
0x1e: {  	s7 =	smul.u32 @!p0 $0xF7A, s2;
	p2 =	seq.s32 @!p0 s5, $0x0  }
0x1f: {  	s9 =	smul.u32 $0xF7A, s1;
	s8 =	simm.s32 @!p0 $0x1BF5;
	p2 =	por !p2, p0  }
0x20: {  	[sflag:s8] =	ssyncset.s32 @!p0 $0xFFFFF086;
	s6 =	sadd.s32 @!p0 s3, s7;
	s7 =	simm.s32 @!p0 $0x108  }
0x21: {  	s3 =	sadd.s32 s3, s9;
	s6 =	sadd.s32 @!p0 $0x88, s6;
	s7 =	simm.s32 @p2 $0x1082  }
0x22: {  	[simem:s7], [sflag:s8] =	dma.local @!p0 [hbm:s6], $0xF7A  }
0x23: {  	s9 =	sor.u32 $0xD0000000, s2;
	s6 =	simm.s32 $0x108;
	_ =	swait.ge @!p0 [sflag:s8], $0x0  }
0x24: {  	s3 =	sadd.s32 $0x88, s3;
	s6 =	simm.s32 @!p1 $0x1082;
	[sflag:s4] =	ssyncset.s32 $0xFFFFF086  }
0x25: {  	[simem:s6], [sflag:s4] =	dma.local [hbm:s3], $0xF7A  }
0x26: {  	[smem:$0x3F74] =	sst s1;
	(tag) =	ssettag s2;
	_ =	strace s9  }
0x27: {  	s1 =	sld [smem:$0x3F84]  }
0x28: {  	s2 =	sld [smem:$0x3F85]  }
0x29: {  	s4 =	sld [smem:$0x3F87]  }
0x2a: {  	p0 =	seq.s32 s5, $0x0;
	s5 =	sld [smem:$0x3F88]  }
0x2b: {  	s6 =	sld [smem:$0x3F89]  }
0x2c: {  	s7 =	sld [smem:$0x3F8A]  }
0x2d: {  	s3 =	simm.s32 $0x108;
	s8 =	sld [smem:$0x3F8B]  }
0x2e: {  	s3 =	simm.s32 @!p0 $0x1082;
	s9 =	sld [smem:$0x3F8C]  }
0x2f: {  	lr =	sadd.s32 s0, s3;
	s0 =	sld [smem:$0x3F83]  }
0x30: {  	s3 =	sld [smem:$0x3F86]  }
0x31: {  	[smem:$0x3F8F] =	sst s10  }
0x32: {  	s10 =	sld [smem:$0x3F8D];
	_ =	sdelay $0x3  }
0x33: {  	p0 =	seq.s32 s10, $0x1;
	s10 =	sld [smem:$0x3F8F];
	_ =	sdelay $0x3  }
0x34: {  	[smem:$0x3F8F] =	sst s10  }
0x35: {  	s10 =	sld [smem:$0x3F8E];
	_ =	sdelay $0x3  }
0x36: {  	p1 =	seq.s32 s10, $0x1;
	s10 =	sld [smem:$0x3F8F];
	_ =	sdelay $0x3  }
0x37: {  	[smem:$0x3F8F] =	sst s10  }
0x38: {  	s10 =	sld [smem:$0x3F90]  }
0x39: {  	_ = 	snop;
	(pc) =	sbr.ind lr, $3  }
0x3a: {  	_ = 	snop  }
0x3b: {  	_ = 	snop  }
0x3c: {  	p2 =	seq.s32 s10, $0x1;
	s10 =	sld [smem:$0x3F8F]  }
0x3d: {  	_ =	shalt  }
0x3e: {  	_ =	shalt  }
0x3f: {  	_ =	shalt  }
0x40: {  	_ =	shalt  }
0x41: {  	_ =	shalt  }
0x42: {  	_ =	shalt  }
0x43: {  	_ =	shalt  }
0x44: {  	_ =	shalt  }
0x45: {  	_ =	shalt  }
0x46: {  	_ =	shalt  }
0x47: {  	_ =	shalt  }
0x48: {  	_ =	shalt  }
0x49: {  	_ =	shalt  }
0x4a: {  	_ =	shalt  }
0x4b: {  	_ =	shalt  }
0x4c: {  	_ =	shalt  }
0x4d: {  	_ =	shalt  }
0x4e: {  	_ =	shalt  }
0x4f: {  	_ =	shalt  }
0x50: {  	_ =	shalt  }
0x51: {  	_ =	shalt  }
0x52: {  	_ =	shalt  }
0x53: {  	_ =	shalt  }
0x54: {  	_ =	shalt  }
0x55: {  	_ =	shalt  }
0x56: {  	_ =	shalt  }
0x57: {  	_ =	shalt  }
0x58: {  	_ =	shalt  }
0x59: {  	_ =	shalt  }
0x5a: {  	_ =	shalt  }
0x5b: {  	_ =	shalt  }
0x5c: {  	_ =	shalt  }
0x5d: {  	_ =	shalt  }
0x5e: {  	_ =	shalt  }
0x5f: {  	_ =	shalt  }
0x60: {  	_ =	shalt  }
0x61: {  	_ =	shalt  }
0x62: {  	_ =	shalt  }
0x63: {  	_ =	shalt  }
0x64: {  	_ =	shalt  }
0x65: {  	_ =	shalt  }
0x66: {  	_ =	shalt  }
0x67: {  	_ =	shalt  }
0x68: {  	_ =	shalt  }
0x69: {  	_ =	shalt  }
0x6a: {  	_ =	shalt  }
0x6b: {  	_ =	shalt  }
0x6c: {  	_ =	shalt  }
0x6d: {  	_ =	shalt  }
0x6e: {  	_ =	shalt  }
0x6f: {  	_ =	shalt  }
0x70: {  	_ =	shalt  }
0x71: {  	_ =	shalt  }
0x72: {  	_ =	shalt  }
0x73: {  	_ =	shalt  }
0x74: {  	_ =	shalt  }
0x75: {  	_ =	shalt  }
0x76: {  	_ =	shalt  }
0x77: {  	_ =	shalt  }
0x78: {  	_ =	shalt  }
0x79: {  	_ =	shalt  }
0x7a: {  	_ =	shalt  }
0x7b: {  	_ =	shalt  }
0x7c: {  	_ =	shalt  }
0x7d: {  	_ =	shalt  }
0x7e: {  	_ =	shalt  }
0x7f: {  	_ =	shalt  }
0x80: {  	_ =	shalt  }
0x81: {  	_ =	shalt  }
0x82: {  	_ =	shalt  }
0x83: {  	_ =	shalt  }
0x84: {  	_ =	shalt  }
0x85: {  	_ =	shalt  }
0x86: {  	_ =	shalt  }
0x87: {  	_ =	shalt  }
.Lfunc_end0:
.L_simem_size_0:
called_computation.2_lowered:
.L_overlay_start_0:
0x88: {  	s2 =	sld [smem:$0x3FD9]  }
0x89: {  	s3 =	sld [smem:$0x3FFE];
	_ =	sdelay $0x1  }
0x8a: {  	s1 =	srdreg.scid  }
0x8b: {  	s0 =	sand.u32 $0x1, s1  }
0x8c: {  	s16 =	sshll.u32 s0, $0xA;
	s2 =	sadd.s32 s3, s2  }
0x8d: {  	s2 =	sadd.s32 s2, s16  }
0x8e: {  	[smem:$0x3F9B] =	sst s2  }
0x8f: {  	_ = 	snop  }
0x90: {  	(tm) =	ssettm $0x1  }
0x91: {  	s17 =	sld [smem:$0x3FFB];
	_ =	sdelay $0x3  }
0x92: {  	_ =	strace s17  }
0x93: {  	s2 =	sld [smem:$0x3FFC];
	_ =	sdelay $0x3  }
0x94: {  	_ =	strace s2  }
0x95: {  	s2 =	sld [smem:$0x3FFD];
	_ =	sdelay $0x3  }
0x96: {  	_ =	strace s2  }
0x97: {  	_ =	strace $0x8FFFFFFF  }
0x98: {  	s18 =	sld [smem:$0x3FDB];
	_ =	sdelay $0x1  }
0x99: {  	s19 =	simm.s32 $_scs_section_size  }
0x9a: {  	s4 =	simm.s32 $_size__tile_overlayer_lowered;
	s5 =	simm.s32 $_tile_overlayer_lowered  }
0x9b: {  	s22 =	simm.s32 $0x1BFF;
	s21 =	sshll.u32 s5, $0x1;
	s2 =	sadd.s32 s19, s18  }
0x9c: {  	s6 =	simm.s32 $0x0;
	s20 =	sshll.u32 s4, $0x1;
	s4 =	sadd.s32 s21, s2  }
0x9d: {  	[timem:s6], [sflag:s22] =	dma.local [hbm:s4], s20  }
0x9e: {  	_ =	swait.ge [sflag:s22], s20  }
0x9f: {  	s3 =	ssub.s32 $0x0, s20;
	[sflag:s22] =	ssyncset.done $0x0  }
0xa0: {  	[sflag:s22] =	ssyncadd.s32 s3;
	_ =	sdelay $0x1  }
0xa1: {  	s23 =	simm.s32 $0x1B8B  }
0xa2: {  	_ =	swait.ge [sflag:s23], $0x1  }
0xa3: {  	[sflag:s23] =	ssyncset.done $0x0  }
0xa4: {  	s25 =	simm.s32 $0x1B8E;
	s24 =	sld [smem:$0x3FFE];
	[sflag:s23] =	ssyncadd.s32 $0xFFFFFFFF  }
0xa5: {  	s26 =	simm.s32 $execute0_lowered;
	[smem:$0x3FD2] =	sst s25  }
0xa6: {  	s4 =	sshll.u32 s26, $0x1;
	_ =	strace $0x8000004C;
	[dreg:$0x1] =	wrdreg $0xFFFFFFFF  }
0xa7: {  	s28 =	simm.s32 $_size_execute0_lowered;
	s2 =	sadd.s32 s2, s4;
	[dreg:$0x0] =	wrdreg $0x0  }
0xa8: {  	s4 =	sshll.u32 s28, $0x1;
	[dreg:$0x2] =	wrdreg s2  }
0xa9: {  	[dreg:$0x3] =	wrdreg s4  }
0xaa: {  	[dreg:$0x4] =	wrdreg $0xC0  }
0xab: {  	_ =	task [dreg:s6], $0x5FFFF  }
0xac: {  	[dreg:$0x1] =	wrdreg $0xFFFFFFFF  }
0xad: {  	[dreg:$0x0] =	wrdreg $0x60  }
0xae: {  	[dreg:$0x2] =	wrdreg s24  }
0xaf: {  	[dreg:$0x3] =	wrdreg $0x90000  }
0xb0: {  	[dreg:$0x4] =	wrdreg $0x9  }
0xb1: {  	_ =	task.clear_ibuf [dreg:s6], $0x5FFFF;
	_ =	strace $0x9000004C  }
0xb2: {  	s29 =	simm.s32 $0x9;
	_ =	strace $0x8000004E  }
0xb3: {  	_ =	swait.ge [sflag:s29], $0x1  }
0xb4: {  	[sflag:s29] =	ssyncadd.s32 $0xFFFFFFFF  }
0xb5: {  	_ =	strace $0x9000004E  }
0xb6: {  	_ =	sfence  }
0xb7: {  	s30 =	sld [smem:$0x0];
	_ =	sdelay $0x2  }
0xb8: {  	s31 =	sshll.u32 s1, $0xD;
	s1 =	sshrl.u32 s1, $0x2  }
0xb9: {  	s3 =	sand.u32 $0x4000, s31;
	s1 =	sadd.s32 s1, s30  }
0xba: {  	s0 =	sor.u32 s3, s0;
	s1 =	sshll.u32 s1, $0x11  }
0xbb: {  	s0 =	sor.u32 s1, s0  }
0xbc: {  	s0 =	sadd.s32 $0x8F2B, s0  }
0xbd: {  	[sflag:s0] =	ssyncadd.remote.s32 $0x1  }
0xbe: {  	_ =	sfence.sel $0xFFFF  }
0xbf: {  	[dreg:$0x0] =	wrdreg $0xFFFFFFFF;
	(pc) =	sbr.abs _section_cstart, $3  }
0xc0: {  	[dreg:$0x1] =	wrdreg $0xFFFFFFFF  }
0xc1: {  	_ =	task.clear_ibuf [dreg:s6], $0x2FFFF;
	_ =	strace $0x9FFFFFFF  }
0xc2: {  	(tm) =	ssettm $0x7FFFFFFF  }
0xc3: {  	_ =	shalt  }
tec
execute0_lowered:
.L_overlay_start_1:
0x0: {  	(tag) =	ssettag $0x1  }
0x1: {  	s0 =	srdreg.scid;
	s6 =	rddreg [dreg:$0x0]  }
0x2: {  	s2 =	rddreg [dreg:$0x1];
	s3 =	simm.s32 $0x0;
	s14 =	simm.s32 $0x80  }
0x3: {  	s15 =	simm.s32 $0x5000;
	s5 =	sand.u32 $0x1, s0;
	s0 =	stileid.u32  }
0x4: {  	s16 =	simm.s32 $0x1;
	s17 =	simm.s32 $0x0;
	s8 =	smul.u32 $0x13C00, s0  }
0x5: {  	[smem:$0x7FF] =	sst s3;
	s1 =	sshll.u32 s5, $0x4;
	s9 =	smul.u32 $0x13C000, s5  }
0x6: {  	s5 =	ssub.s32 $0x2, s5;
	s29 =	smul.u32 $0x4F000, s0;
	s31 =	sshll.u32 s0, $0x6  }
0x7: {  	s4 =	sor.u32 s0, s1;
	s1 =	rddreg [dreg:$0x2];
	_ =	strace $0x8000004D  }
0x8: {  	s11 =	sshrl.u32 s5, $0x1;
	s7 =	smul.u32 $0x500, s4;
	s4 =	sadd.s32 $0x43800, s6  }
0x9: {  	s28 =	sshrl.u32 s8, $0x3;
	s8 =	sadd.s32 s8, s9;
	s30 =	sshrl.u32 s29, $0x2  }
0xa: {  	s11 =	ssub.s32 s5, s11;
	s8 =	sshrl.u32 s8, $0x3;
	s13 =	sadd.s32 s30, s2  }
0xb: {  	s10 =	sadd.s32 s7, s6;
	s7 =	sadd.s32 s28, s6;
	s12 =	sadd.s32 s8, s6  }
0xc: {  	s6 =	sor.u32 $0x1C02, s31;
	s5 =	sadd.s32 $0x1C000, s7;
	s7 =	sadd.s32 $0x8000, s10  }
0xd: {  	s8 =	sadd.s32 $0x12000, s10;
	s9 =	sadd.s32 $0x6AA00, s12;
	s10 =	smax.u32 s11, $0x1  }
0xe: {  	s11 =	sshrl.u32 s13, $0x3;
	s12 =	simm.s32 $0x2;
	s13 =	simm.s32 $0x2800  }
.LBB2_1:
0xf: {  	[spmem:s11], [sflag:s6] =	dma.local [hbm:s5], $0x2780  }
0x10: {  	_ =	swait.ge [sflag:s12], $0x2780  }
0x11: {  	[sflag:s12] =	ssyncset.done $0x0  }
0x12: {  	[sflag:s12] =	ssyncadd.s32 $0xFFFFD880  }
0x13: {  	[tilespmem:s3], [sflag:$0x2] =	stream.linear.gather [hbm4b:s7+s3], $0x2780, $0x38;
	[tilespmem:$0x1CC00] =	vst v63  }
0x14: {  	_ =	swait.ge [sflag:s12], $0x2780  }
0x15: {  	[sflag:s12] =	ssyncset.done $0x0  }
0x16: {  	[sflag:s12] =	ssyncadd.s32 $0xFFFFD880  }
0x17: {  	[tilespmem:s13], [sflag:$0x2] =	stream.linear.gather [hbm4b:s8+s3], $0x2780, $0x38;
	[tilespmem:$0x1CC00] =	vst v63  }
0x18: {  	_ =	swait.ge [sflag:s12], $0x2780  }
0x19: {  	[sflag:s12] =	ssyncset.done $0x0  }
0x1a: {  	[sflag:s12] =	ssyncadd.s32 $0xFFFFD880  }
0x1b: {  	s18 =	simm.s32 $0x0;
	[bflag:$0x0] =	sbarrier.arrive $0xFFFF  }
0x1c: {  	[tilespmem:s15], [sflag:$0x1] =	stream.indirect.gather [hbm4b:s4+s14], $0x80, s18, s14, $0xb8;
	[tilespmem:$0x1CC00] =	vst v63  }
0x1d: {  	_ =	swait.ge [sflag:s16], $0x4000  }
0x1e: {  	[sflag:s16] =	ssyncset.done $0x0  }
0x1f: {  	s31 =	simm.s32 $0x2800;
	[sflag:s16] =	ssyncadd.s32 $0xFFFFC000  }
0x20: {  	[spmem:s2] =	stream.indirect.scatter.add.f32 [tilespmem:s15], [sflag:$0x2], $0x80, s31, s14, $0xb8;
	[tilespmem:$0x1CC00] =	vst v63  }
0x21: {  	_ =	swait.ge [sflag:s12], $0x4000  }
0x22: {  	s19 =	simm.s32 $0x400;
	s18 =	simm.s32 $0x200;
	[sflag:s12] =	ssyncset.done $0x0  }
.LBB2_2:
0x23: {  	s20 =	sshra.s32 s18, $0x2  }
0x24: {  	[sflag:s12] =	ssyncadd.s32 $0xFFFFC000;
	s18 =	smov.u32 s19;
	s21 =	sadd.s32 $0x200, s19  }
0x25: {  	[tilespmem:s15], [sflag:$0x1] =	stream.indirect.gather [hbm4b:s4+s14], $0x80, s20, s14, $0xb8;
	[tilespmem:$0x1CC00] =	vst v63  }
0x26: {  	p0 =	sne.s32 s19, $0x9C00;
	_ =	swait.ge [sflag:s16], $0x4000  }
.Ltmp0:
0x27: {  	[sflag:s16] =	ssyncset.done $0x0;
	(pc) =	sbr.rel @p0 .LBB2_2-.Ltmp0, $4  }
0x28: {  	s19 =	sadd.s32 $0x2800, s20;
	[sflag:s16] =	ssyncadd.s32 $0xFFFFC000  }
0x29: {  	[spmem:s2] =	stream.indirect.scatter.add.f32 [tilespmem:s15], [sflag:$0x2], $0x80, s19, s14, $0xb8;
	[tilespmem:$0x1CC00] =	vst v63  }
0x2a: {  	_ =	swait.ge [sflag:s12], $0x4000  }
0x2b: {  	s19 =	smov.u32 s21;
	[sflag:s12] =	ssyncset.done $0x0  }
0x2c: {  	s18 =	sshra.s32 s18, $0x2;
	[sflag:s12] =	ssyncadd.s32 $0xFFFFC000  }
0x2d: {  	[tilespmem:s15], [sflag:$0x1] =	stream.indirect.gather [hbm4b:s4+s14], $0x80, s18, s14, $0xb8;
	[tilespmem:$0x1CC00] =	vst v63  }
0x2e: {  	_ =	swait.ge [sflag:s16], $0x4000  }
0x2f: {  	[sflag:s16] =	ssyncset.done $0x0  }
0x30: {  	s18 =	sadd.s32 $0x2800, s18;
	[sflag:s16] =	ssyncadd.s32 $0xFFFFC000  }
0x31: {  	[spmem:s2] =	stream.indirect.scatter.add.f32 [tilespmem:s15], [sflag:$0x2], $0x80, s18, s14, $0xb8;
	[tilespmem:$0x1CC00] =	vst v63  }
0x32: {  	_ =	swait.ge [sflag:s12], $0x4000  }
0x33: {  	s17 =	sadd.s32 $0x1, s17;
	[sflag:s12] =	ssyncset.done $0x0  }
0x34: {  	p0 =	sne.s32 s17, s10;
	[sflag:s12] =	ssyncadd.s32 $0xFFFFC000  }
.Ltmp1:
0x35: {  	[bflag:$0x0] =	sbarrier.arrive $0xFFFF;
	(pc) =	sbr.rel @p0 .LBB2_1-.Ltmp1, $4  }
0x36: {  	[hbm:s9], [sflag:s6] =	dma.local [spmem:s11], $0x2780  }
0x37: {  	_ =	swait.ge [sflag:s12], $0x2780  }
0x38: {  	[sflag:s12] =	ssyncset.done $0x0  }
0x39: {  	[sflag:s12] =	ssyncadd.s32 $0xFFFFD880  }
0x3a: {  	_ =	sfence.sel $0x180000  }
0x3b: {  	[bflag:$0x0] =	sbarrier.arrive $0xFFFF  }
0x3c: {  	p0 =	sne.s32 s0, $0x0;
	_ =	strace $0x9000004D  }
0x3d: {  	s0 =	sadd.s32 @!p0 $0x100000, s1;
	[bflag:$0x2] =	sbarrier.arrive $0xFFFF  }
0x3e: {  	[sflag:s0] =	ssyncadd.tile.s32 @!p0 $0x1;
	_ =	shalt  }
.Lfunc_end2:
_tile_overlayer_lowered:
.L_overlay_start_2:
0x3f: {  	(tag) =	ssettag $0x2  }
0x40: {  	s0 =	rddreg [dreg:$0x0];
	s2 =	stileid.u32  }
0x41: {  	s1 =	rddreg [dreg:$0x1];
	p0 =	sne.s32 s2, $0x0  }
0x42: {  	s3 =	rddreg [dreg:$0x2];
	[bflag:$0x3] =	sbarrier.arrive $0xFFFF;
	s2 =	simm.s32 @!p0 $0x1C02  }
0x43: {  	[timem:s3], [sflag:s2] =	dma.local @!p0 [hbm:s0], s1  }
0x44: {  	s0 =	simm.s32 @!p0 $0x2  }
0x45: {  	_ =	swait.ge @!p0 [sflag:s0], s1  }
0x46: {  	s1 =	ssub.s32 @!p0 $0x0, s1;
	[sflag:s0] =	ssyncset.done @!p0 $0x0  }
0x47: {  	[sflag:s0] =	ssyncadd.s32 @!p0 s1  }
0x48: {  	[bflag:$0x3] =	sbarrier.arrive $0xFFFF  }
0x49: {  	_ =	shalt  }

// kernel: kernel.20.cloned.1.call-start
scs
__scs_entry_jumppad:
0x0: {  	(pc) =	sbr.rel $0x88, $3  }
0x1: {  	(tag) =	ssettag $0x0;
	lr =	simm.s32 $0x1  }
0x2: {  	[smem:$0x3F74] =	sst lr;
	_ =	strace $0xD0000000  }
0x3: {  	_ = 	snop  }
0x4: {  	_ = 	snop  }
0x5: {  	_ = 	snop  }
0x6: {  	_ = 	snop  }
0x7: {  	_ = 	snop  }
__scs_overlays_trampoline_lowered:
0x8: {  	[smem:$0x3F83] =	sst s0  }
0x9: {  	[smem:$0x3F84] =	sst s1  }
0xa: {  	[smem:$0x3F85] =	sst s2  }
0xb: {  	[smem:$0x3F86] =	sst s3  }
0xc: {  	[smem:$0x3F87] =	sst s4  }
0xd: {  	[smem:$0x3F88] =	sst s5  }
0xe: {  	[smem:$0x3F89] =	sst s6  }
0xf: {  	[smem:$0x3F8A] =	sst s7  }
0x10: {  	[smem:$0x3F8B] =	sst s8  }
0x11: {  	[smem:$0x3F8C] =	sst s9;
	s0 =	simm.s32 @!p0 $0x0  }
0x12: {  	s1 =	sld [smem:$0x3F72];
	s0 =	simm.s32 @p0 $0x1  }
0x13: {  	[smem:$0x3F8D] =	sst s0;
	s0 =	simm.s32 @!p1 $0x0  }
0x14: {  	s2 =	sld [smem:$0x3F71];
	s0 =	simm.s32 @p1 $0x1  }
0x15: {  	[smem:$0x3F8E] =	sst s0;
	s0 =	simm.s32 @!p2 $0x0  }
0x16: {  	s3 =	sld [smem:$0x3FDB];
	s0 =	simm.s32 @p2 $0x1  }
0x17: {  	s4 =	simm.s32 $0x1BF5;
	[smem:$0x3F90] =	sst s0  }
0x18: {  	s0 =	sld [smem:$0x3F73];
	_ =	swait.ge [sflag:s4], $0x0  }
0x19: {  	s7 =	sld [smem:$0x3F74]  }
0x1a: {  	s8 =	sadd.s32 $0xFFFFE003, lr  }
0x1b: {  	s9 =	sadd.s32 $0xFFFFFEF7, lr;
	s5 =	simm.s32 $0xFFFFFFFF;
	p2 =	slt.u32 s8, $0xFFFFF086  }
0x1c: {  	p1 =	slt.u32 s9, $0xF7A;
	s5 =	simm.s32 @!p2 $0x0  }
0x1d: {  	s5 =	simm.s32 @p1 $0x1;
	p0 =	seq.s32 s7, s2  }
0x1e: {  	s7 =	smul.u32 @!p0 $0xF7A, s2;
	p2 =	seq.s32 @!p0 s5, $0x0  }
0x1f: {  	s9 =	smul.u32 $0xF7A, s1;
	s8 =	simm.s32 @!p0 $0x1BF5;
	p2 =	por !p2, p0  }
0x20: {  	[sflag:s8] =	ssyncset.s32 @!p0 $0xFFFFF086;
	s6 =	sadd.s32 @!p0 s3, s7;
	s7 =	simm.s32 @!p0 $0x108  }
0x21: {  	s3 =	sadd.s32 s3, s9;
	s6 =	sadd.s32 @!p0 $0x88, s6;
	s7 =	simm.s32 @p2 $0x1082  }
0x22: {  	[simem:s7], [sflag:s8] =	dma.local @!p0 [hbm:s6], $0xF7A  }
0x23: {  	s9 =	sor.u32 $0xD0000000, s2;
	s6 =	simm.s32 $0x108;
	_ =	swait.ge @!p0 [sflag:s8], $0x0  }
0x24: {  	s3 =	sadd.s32 $0x88, s3;
	s6 =	simm.s32 @!p1 $0x1082;
	[sflag:s4] =	ssyncset.s32 $0xFFFFF086  }
0x25: {  	[simem:s6], [sflag:s4] =	dma.local [hbm:s3], $0xF7A  }
0x26: {  	[smem:$0x3F74] =	sst s1;
	(tag) =	ssettag s2;
	_ =	strace s9  }
0x27: {  	s1 =	sld [smem:$0x3F84]  }
0x28: {  	s2 =	sld [smem:$0x3F85]  }
0x29: {  	s4 =	sld [smem:$0x3F87]  }
0x2a: {  	p0 =	seq.s32 s5, $0x0;
	s5 =	sld [smem:$0x3F88]  }
0x2b: {  	s6 =	sld [smem:$0x3F89]  }
0x2c: {  	s7 =	sld [smem:$0x3F8A]  }
0x2d: {  	s3 =	simm.s32 $0x108;
	s8 =	sld [smem:$0x3F8B]  }
0x2e: {  	s3 =	simm.s32 @!p0 $0x1082;
	s9 =	sld [smem:$0x3F8C]  }
0x2f: {  	lr =	sadd.s32 s0, s3;
	s0 =	sld [smem:$0x3F83]  }
0x30: {  	s3 =	sld [smem:$0x3F86]  }
0x31: {  	[smem:$0x3F8F] =	sst s10  }
0x32: {  	s10 =	sld [smem:$0x3F8D];
	_ =	sdelay $0x3  }
0x33: {  	p0 =	seq.s32 s10, $0x1;
	s10 =	sld [smem:$0x3F8F];
	_ =	sdelay $0x3  }
0x34: {  	[smem:$0x3F8F] =	sst s10  }
0x35: {  	s10 =	sld [smem:$0x3F8E];
	_ =	sdelay $0x3  }
0x36: {  	p1 =	seq.s32 s10, $0x1;
	s10 =	sld [smem:$0x3F8F];
	_ =	sdelay $0x3  }
0x37: {  	[smem:$0x3F8F] =	sst s10  }
0x38: {  	s10 =	sld [smem:$0x3F90]  }
0x39: {  	_ = 	snop;
	(pc) =	sbr.ind lr, $3  }
0x3a: {  	_ = 	snop  }
0x3b: {  	_ = 	snop  }
0x3c: {  	p2 =	seq.s32 s10, $0x1;
	s10 =	sld [smem:$0x3F8F]  }
0x3d: {  	_ =	shalt  }
0x3e: {  	_ =	shalt  }
0x3f: {  	_ =	shalt  }
0x40: {  	_ =	shalt  }
0x41: {  	_ =	shalt  }
0x42: {  	_ =	shalt  }
0x43: {  	_ =	shalt  }
0x44: {  	_ =	shalt  }
0x45: {  	_ =	shalt  }
0x46: {  	_ =	shalt  }
0x47: {  	_ =	shalt  }
0x48: {  	_ =	shalt  }
0x49: {  	_ =	shalt  }
0x4a: {  	_ =	shalt  }
0x4b: {  	_ =	shalt  }
0x4c: {  	_ =	shalt  }
0x4d: {  	_ =	shalt  }
0x4e: {  	_ =	shalt  }
0x4f: {  	_ =	shalt  }
0x50: {  	_ =	shalt  }
0x51: {  	_ =	shalt  }
0x52: {  	_ =	shalt  }
0x53: {  	_ =	shalt  }
0x54: {  	_ =	shalt  }
0x55: {  	_ =	shalt  }
0x56: {  	_ =	shalt  }
0x57: {  	_ =	shalt  }
0x58: {  	_ =	shalt  }
0x59: {  	_ =	shalt  }
0x5a: {  	_ =	shalt  }
0x5b: {  	_ =	shalt  }
0x5c: {  	_ =	shalt  }
0x5d: {  	_ =	shalt  }
0x5e: {  	_ =	shalt  }
0x5f: {  	_ =	shalt  }
0x60: {  	_ =	shalt  }
0x61: {  	_ =	shalt  }
0x62: {  	_ =	shalt  }
0x63: {  	_ =	shalt  }
0x64: {  	_ =	shalt  }
0x65: {  	_ =	shalt  }
0x66: {  	_ =	shalt  }
0x67: {  	_ =	shalt  }
0x68: {  	_ =	shalt  }
0x69: {  	_ =	shalt  }
0x6a: {  	_ =	shalt  }
0x6b: {  	_ =	shalt  }
0x6c: {  	_ =	shalt  }
0x6d: {  	_ =	shalt  }
0x6e: {  	_ =	shalt  }
0x6f: {  	_ =	shalt  }
0x70: {  	_ =	shalt  }
0x71: {  	_ =	shalt  }
0x72: {  	_ =	shalt  }
0x73: {  	_ =	shalt  }
0x74: {  	_ =	shalt  }
0x75: {  	_ =	shalt  }
0x76: {  	_ =	shalt  }
0x77: {  	_ =	shalt  }
0x78: {  	_ =	shalt  }
0x79: {  	_ =	shalt  }
0x7a: {  	_ =	shalt  }
0x7b: {  	_ =	shalt  }
0x7c: {  	_ =	shalt  }
0x7d: {  	_ =	shalt  }
0x7e: {  	_ =	shalt  }
0x7f: {  	_ =	shalt  }
0x80: {  	_ =	shalt  }
0x81: {  	_ =	shalt  }
0x82: {  	_ =	shalt  }
0x83: {  	_ =	shalt  }
0x84: {  	_ =	shalt  }
0x85: {  	_ =	shalt  }
0x86: {  	_ =	shalt  }
0x87: {  	_ =	shalt  }
.Lfunc_end0:
.L_simem_size_0:
called_computation.3_lowered:
.L_overlay_start_0:
0x88: {  	s2 =	sld [smem:$0x3FD9]  }
0x89: {  	s3 =	sld [smem:$0x3FFE];
	_ =	sdelay $0x1  }
0x8a: {  	s1 =	srdreg.scid  }
0x8b: {  	s0 =	sand.u32 $0x1, s1  }
0x8c: {  	s16 =	sshll.u32 s0, $0xA;
	s2 =	sadd.s32 s3, s2  }
0x8d: {  	s2 =	sadd.s32 s2, s16  }
0x8e: {  	[smem:$0x3F9B] =	sst s2  }
0x8f: {  	_ = 	snop  }
0x90: {  	(tm) =	ssettm $0x1  }
0x91: {  	s17 =	sld [smem:$0x3FFB];
	_ =	sdelay $0x3  }
0x92: {  	_ =	strace s17  }
0x93: {  	s2 =	sld [smem:$0x3FFC];
	_ =	sdelay $0x3  }
0x94: {  	_ =	strace s2  }
0x95: {  	s2 =	sld [smem:$0x3FFD];
	_ =	sdelay $0x3  }
0x96: {  	_ =	strace s2  }
0x97: {  	_ =	strace $0x8FFFFFFF  }
0x98: {  	s18 =	sld [smem:$0x3FDB];
	_ =	sdelay $0x1  }
0x99: {  	s19 =	simm.s32 $_scs_section_size  }
0x9a: {  	s4 =	simm.s32 $_size__tile_overlayer_lowered;
	s5 =	simm.s32 $_tile_overlayer_lowered  }
0x9b: {  	s22 =	simm.s32 $0x1BFF;
	s21 =	sshll.u32 s5, $0x1;
	s2 =	sadd.s32 s19, s18  }
0x9c: {  	s6 =	simm.s32 $0x0;
	s20 =	sshll.u32 s4, $0x1;
	s4 =	sadd.s32 s21, s2  }
0x9d: {  	[timem:s6], [sflag:s22] =	dma.local [hbm:s4], s20  }
0x9e: {  	_ =	swait.ge [sflag:s22], s20  }
0x9f: {  	s3 =	ssub.s32 $0x0, s20;
	[sflag:s22] =	ssyncset.done $0x0  }
0xa0: {  	[sflag:s22] =	ssyncadd.s32 s3;
	_ =	sdelay $0x1  }
0xa1: {  	s23 =	simm.s32 $0x1B8B  }
0xa2: {  	_ =	swait.ge [sflag:s23], $0x1  }
0xa3: {  	[sflag:s23] =	ssyncset.done $0x0  }
0xa4: {  	s25 =	simm.s32 $0x1B8E;
	s24 =	sld [smem:$0x3FFE];
	[sflag:s23] =	ssyncadd.s32 $0xFFFFFFFF  }
0xa5: {  	s26 =	simm.s32 $execute0_lowered;
	[smem:$0x3FD2] =	sst s25  }
0xa6: {  	s4 =	sshll.u32 s26, $0x1;
	_ =	strace $0x8000004F;
	[dreg:$0x1] =	wrdreg $0xFFFFFFFF  }
0xa7: {  	s28 =	simm.s32 $_size_execute0_lowered;
	s2 =	sadd.s32 s2, s4;
	[dreg:$0x0] =	wrdreg $0x0  }
0xa8: {  	s4 =	sshll.u32 s28, $0x1;
	[dreg:$0x2] =	wrdreg s2  }
0xa9: {  	[dreg:$0x3] =	wrdreg s4  }
0xaa: {  	[dreg:$0x4] =	wrdreg $0xC0  }
0xab: {  	_ =	task [dreg:s6], $0x5FFFF  }
0xac: {  	[dreg:$0x1] =	wrdreg $0xFFFFFFFF  }
0xad: {  	[dreg:$0x0] =	wrdreg $0x60  }
0xae: {  	[dreg:$0x2] =	wrdreg s24  }
0xaf: {  	[dreg:$0x3] =	wrdreg $0x90000  }
0xb0: {  	[dreg:$0x4] =	wrdreg $0x9  }
0xb1: {  	_ =	task.clear_ibuf [dreg:s6], $0x5FFFF;
	_ =	strace $0x9000004F  }
0xb2: {  	s29 =	simm.s32 $0x9;
	_ =	strace $0x80000051  }
0xb3: {  	_ =	swait.ge [sflag:s29], $0x1  }
0xb4: {  	[sflag:s29] =	ssyncadd.s32 $0xFFFFFFFF  }
0xb5: {  	_ =	strace $0x90000051  }
0xb6: {  	_ =	sfence  }
0xb7: {  	s30 =	sld [smem:$0x0];
	_ =	sdelay $0x2  }
0xb8: {  	s31 =	sshll.u32 s1, $0xD;
	s1 =	sshrl.u32 s1, $0x2  }
0xb9: {  	s3 =	sand.u32 $0x4000, s31;
	s1 =	sadd.s32 s1, s30  }
0xba: {  	s0 =	sor.u32 s3, s0;
	s1 =	sshll.u32 s1, $0x11  }
0xbb: {  	s0 =	sor.u32 s1, s0  }
0xbc: {  	s0 =	sadd.s32 $0x8F2B, s0  }
0xbd: {  	[sflag:s0] =	ssyncadd.remote.s32 $0x1  }
0xbe: {  	_ =	sfence.sel $0xFFFF  }
0xbf: {  	[dreg:$0x0] =	wrdreg $0xFFFFFFFF;
	(pc) =	sbr.abs _section_cstart, $3  }
0xc0: {  	[dreg:$0x1] =	wrdreg $0xFFFFFFFF  }
0xc1: {  	_ =	task.clear_ibuf [dreg:s6], $0x2FFFF;
	_ =	strace $0x9FFFFFFF  }
0xc2: {  	(tm) =	ssettm $0x7FFFFFFF  }
0xc3: {  	_ =	shalt  }
tec
execute0_lowered:
.L_overlay_start_1:
0x0: {  	(tag) =	ssettag $0x1  }
0x1: {  	s0 =	srdreg.scid;
	s6 =	rddreg [dreg:$0x0]  }
0x2: {  	s2 =	rddreg [dreg:$0x1];
	s3 =	simm.s32 $0x0;
	s14 =	simm.s32 $0x80  }
0x3: {  	s15 =	simm.s32 $0x5000;
	s5 =	sand.u32 $0x1, s0;
	s0 =	stileid.u32  }
0x4: {  	s16 =	simm.s32 $0x1;
	s17 =	simm.s32 $0x0;
	s8 =	smul.u32 $0x13C00, s0  }
0x5: {  	[smem:$0x7FF] =	sst s3;
	s1 =	sshll.u32 s5, $0x4;
	s9 =	smul.u32 $0x13C000, s5  }
0x6: {  	s5 =	ssub.s32 $0x2, s5;
	s29 =	smul.u32 $0x4F000, s0;
	s31 =	sshll.u32 s0, $0x6  }
0x7: {  	s4 =	sor.u32 s0, s1;
	s1 =	rddreg [dreg:$0x2];
	_ =	strace $0x80000050  }
0x8: {  	s11 =	sshrl.u32 s5, $0x1;
	s7 =	smul.u32 $0x500, s4;
	s4 =	sadd.s32 $0x43800, s6  }
0x9: {  	s28 =	sshrl.u32 s8, $0x3;
	s8 =	sadd.s32 s8, s9;
	s30 =	sshrl.u32 s29, $0x2  }
0xa: {  	s11 =	ssub.s32 s5, s11;
	s8 =	sshrl.u32 s8, $0x3;
	s13 =	sadd.s32 s30, s2  }
0xb: {  	s10 =	sadd.s32 s7, s6;
	s7 =	sadd.s32 s28, s6;
	s12 =	sadd.s32 s8, s6  }
0xc: {  	s6 =	sor.u32 $0x1C02, s31;
	s5 =	sadd.s32 $0x1C000, s7;
	s7 =	sadd.s32 $0x8000, s10  }
0xd: {  	s8 =	sadd.s32 $0x12000, s10;
	s9 =	sadd.s32 $0x6AA00, s12;
	s10 =	smax.u32 s11, $0x1  }
0xe: {  	s11 =	sshrl.u32 s13, $0x3;
	s12 =	simm.s32 $0x2;
	s13 =	simm.s32 $0x2800  }
.LBB2_1:
0xf: {  	[spmem:s11], [sflag:s6] =	dma.local [hbm:s5], $0x2780  }
0x10: {  	_ =	swait.ge [sflag:s12], $0x2780  }
0x11: {  	[sflag:s12] =	ssyncset.done $0x0  }
0x12: {  	[sflag:s12] =	ssyncadd.s32 $0xFFFFD880  }
0x13: {  	[tilespmem:s3], [sflag:$0x2] =	stream.linear.gather [hbm4b:s7+s3], $0x2780, $0x38;
	[tilespmem:$0x1CC00] =	vst v63  }
0x14: {  	_ =	swait.ge [sflag:s12], $0x2780  }
0x15: {  	[sflag:s12] =	ssyncset.done $0x0  }
0x16: {  	[sflag:s12] =	ssyncadd.s32 $0xFFFFD880  }
0x17: {  	[tilespmem:s13], [sflag:$0x2] =	stream.linear.gather [hbm4b:s8+s3], $0x2780, $0x38;
	[tilespmem:$0x1CC00] =	vst v63  }
0x18: {  	_ =	swait.ge [sflag:s12], $0x2780  }
0x19: {  	[sflag:s12] =	ssyncset.done $0x0  }
0x1a: {  	[sflag:s12] =	ssyncadd.s32 $0xFFFFD880  }
0x1b: {  	s18 =	simm.s32 $0x0;
	[bflag:$0x0] =	sbarrier.arrive $0xFFFF  }
0x1c: {  	[tilespmem:s15], [sflag:$0x1] =	stream.indirect.gather [hbm4b:s4+s14], $0x80, s18, s14, $0xb8;
	[tilespmem:$0x1CC00] =	vst v63  }
0x1d: {  	_ =	swait.ge [sflag:s16], $0x4000  }
0x1e: {  	[sflag:s16] =	ssyncset.done $0x0  }
0x1f: {  	s31 =	simm.s32 $0x2800;
	[sflag:s16] =	ssyncadd.s32 $0xFFFFC000  }
0x20: {  	[spmem:s2] =	stream.indirect.scatter.add.f32 [tilespmem:s15], [sflag:$0x2], $0x80, s31, s14, $0xb8;
	[tilespmem:$0x1CC00] =	vst v63  }
0x21: {  	_ =	swait.ge [sflag:s12], $0x4000  }
0x22: {  	s19 =	simm.s32 $0x400;
	s18 =	simm.s32 $0x200;
	[sflag:s12] =	ssyncset.done $0x0  }
.LBB2_2:
0x23: {  	s20 =	sshra.s32 s18, $0x2  }
0x24: {  	[sflag:s12] =	ssyncadd.s32 $0xFFFFC000;
	s18 =	smov.u32 s19;
	s21 =	sadd.s32 $0x200, s19  }
0x25: {  	[tilespmem:s15], [sflag:$0x1] =	stream.indirect.gather [hbm4b:s4+s14], $0x80, s20, s14, $0xb8;
	[tilespmem:$0x1CC00] =	vst v63  }
0x26: {  	p0 =	sne.s32 s19, $0x9C00;
	_ =	swait.ge [sflag:s16], $0x4000  }
.Ltmp0:
0x27: {  	[sflag:s16] =	ssyncset.done $0x0;
	(pc) =	sbr.rel @p0 .LBB2_2-.Ltmp0, $4  }
0x28: {  	s19 =	sadd.s32 $0x2800, s20;
	[sflag:s16] =	ssyncadd.s32 $0xFFFFC000  }
0x29: {  	[spmem:s2] =	stream.indirect.scatter.add.f32 [tilespmem:s15], [sflag:$0x2], $0x80, s19, s14, $0xb8;
	[tilespmem:$0x1CC00] =	vst v63  }
0x2a: {  	_ =	swait.ge [sflag:s12], $0x4000  }
0x2b: {  	s19 =	smov.u32 s21;
	[sflag:s12] =	ssyncset.done $0x0  }
0x2c: {  	s18 =	sshra.s32 s18, $0x2;
	[sflag:s12] =	ssyncadd.s32 $0xFFFFC000  }
0x2d: {  	[tilespmem:s15], [sflag:$0x1] =	stream.indirect.gather [hbm4b:s4+s14], $0x80, s18, s14, $0xb8;
	[tilespmem:$0x1CC00] =	vst v63  }
0x2e: {  	_ =	swait.ge [sflag:s16], $0x4000  }
0x2f: {  	[sflag:s16] =	ssyncset.done $0x0  }
0x30: {  	s18 =	sadd.s32 $0x2800, s18;
	[sflag:s16] =	ssyncadd.s32 $0xFFFFC000  }
0x31: {  	[spmem:s2] =	stream.indirect.scatter.add.f32 [tilespmem:s15], [sflag:$0x2], $0x80, s18, s14, $0xb8;
	[tilespmem:$0x1CC00] =	vst v63  }
0x32: {  	_ =	swait.ge [sflag:s12], $0x4000  }
0x33: {  	s17 =	sadd.s32 $0x1, s17;
	[sflag:s12] =	ssyncset.done $0x0  }
0x34: {  	p0 =	sne.s32 s17, s10;
	[sflag:s12] =	ssyncadd.s32 $0xFFFFC000  }
.Ltmp1:
0x35: {  	[bflag:$0x0] =	sbarrier.arrive $0xFFFF;
	(pc) =	sbr.rel @p0 .LBB2_1-.Ltmp1, $4  }
0x36: {  	[hbm:s9], [sflag:s6] =	dma.local [spmem:s11], $0x2780  }
0x37: {  	_ =	swait.ge [sflag:s12], $0x2780  }
0x38: {  	[sflag:s12] =	ssyncset.done $0x0  }
0x39: {  	[sflag:s12] =	ssyncadd.s32 $0xFFFFD880  }
0x3a: {  	_ =	sfence.sel $0x180000  }
0x3b: {  	[bflag:$0x0] =	sbarrier.arrive $0xFFFF  }
0x3c: {  	p0 =	sne.s32 s0, $0x0;
	_ =	strace $0x90000050  }
0x3d: {  	s0 =	sadd.s32 @!p0 $0x100000, s1;
	[bflag:$0x2] =	sbarrier.arrive $0xFFFF  }
0x3e: {  	[sflag:s0] =	ssyncadd.tile.s32 @!p0 $0x1;
	_ =	shalt  }
.Lfunc_end2:
_tile_overlayer_lowered:
.L_overlay_start_2:
0x3f: {  	(tag) =	ssettag $0x2  }
0x40: {  	s0 =	rddreg [dreg:$0x0];
	s2 =	stileid.u32  }
0x41: {  	s1 =	rddreg [dreg:$0x1];
	p0 =	sne.s32 s2, $0x0  }
0x42: {  	s3 =	rddreg [dreg:$0x2];
	[bflag:$0x3] =	sbarrier.arrive $0xFFFF;
	s2 =	simm.s32 @!p0 $0x1C02  }
0x43: {  	[timem:s3], [sflag:s2] =	dma.local @!p0 [hbm:s0], s1  }
0x44: {  	s0 =	simm.s32 @!p0 $0x2  }
0x45: {  	_ =	swait.ge @!p0 [sflag:s0], s1  }
0x46: {  	s1 =	ssub.s32 @!p0 $0x0, s1;
	[sflag:s0] =	ssyncset.done @!p0 $0x0  }
0x47: {  	[sflag:s0] =	ssyncadd.s32 @!p0 s1  }
0x48: {  	[bflag:$0x3] =	sbarrier.arrive $0xFFFF  }
0x49: {  	_ =	shalt  }

</sc_bundles>
